<compile_context>
chip_gen: v7x
topology: tpu7x:2x2x1
jax: 0.10.2.dev20260603
libtpu: 0.0.44.dev20260713+nightly
codegen_flags: <defaults>
</compile_context>

<pallas_src>
import functools

import jax
import jax.numpy as jnp
from jax import lax
from jax.experimental import pallas as pl
from jax.experimental.pallas import tpu as pltpu
from jax.experimental.pallas import tpu_sc as plsc

_B = 2
_C = 256
_H = 384
_W = 384
_HW = _H * _W
_S = 1200
_NSEG = _B * _S
_R = 8
_NCHUNK = _H // _R
_NG = 16
_GC = 16
_WB = _W // 16


@functools.partial(
    pl.kernel,
    out_type=[
        jax.ShapeDtypeStruct((_B * _NG, 1, _GC * _S), jnp.float32),
        jax.ShapeDtypeStruct((_B * _NG, 1, 5 * _S), jnp.float32),
    ],
    scratch_types=[
        pltpu.VMEM((_GC, _R, _W), jnp.float32),
        pltpu.VMEM((_R, _W), jnp.int32),
        pltpu.VMEM((_R, _W), jnp.float32),
        pltpu.VMEM((_R, _W), jnp.float32),
        pltpu.VMEM((_GC * _S,), jnp.float32),
        pltpu.VMEM((5 * _S,), jnp.float32),
    ],
    mesh=plsc.VectorSubcoreMesh(core_axis_name="c", subcore_axis_name="s"),
    compiler_params=pltpu.CompilerParams(needs_layout_passes=False),
)
def _sc_pool(feats_hbm, labs_hbm, fx_hbm, fy_hbm,
             feat_out, aux_out,
             fbuf, lbuf, fxbuf, fybuf, acc, aux):
    bb = lax.axis_index("c")
    g = lax.axis_index("s")
    wid = bb * _NG + g
    c0 = g * _GC

    zeros16 = jnp.zeros((16,), jnp.float32)
    ones16 = jnp.ones((16,), jnp.float32)
    iota16 = lax.iota(jnp.int32, 16).astype(jnp.float32) * (1.0 / (_W - 1))

    def _zacc(i, carry):
        acc[pl.ds(i * 16, 16)] = zeros16
        return carry
    lax.fori_loop(0, (_GC * _S) // 16, _zacc, 0, unroll=8)

    def _zaux(i, carry):
        aux[pl.ds(i * 16, 16)] = zeros16
        return carry
    lax.fori_loop(0, (5 * _S) // 16, _zaux, 0, unroll=8)

    def chunk_body(ci, carry):
        r0 = ci * _R
        pltpu.sync_copy(
            feats_hbm.at[bb, pl.ds(c0, _GC), pl.ds(r0, _R), :], fbuf)
        pltpu.sync_copy(labs_hbm.at[bb, pl.ds(r0, _R), :], lbuf)

        def row_loop(ri, rcarry):
            def blk(pj, inner):
                base = pj * 16
                lab = lbuf[ri, pl.ds(base, 16)]
                for c in range(_GC):
                    v = fbuf[c, ri, pl.ds(base, 16)]
                    plsc.addupdate_scatter(acc, [lab + (c * _S)], v)
                return inner
            lax.fori_loop(0, _WB, blk, 0, unroll=4)
            return rcarry
        lax.fori_loop(0, _R, row_loop, 0)

        @pl.when(lax.rem(ci, _NG) == g)
        def _aux_work():
            pltpu.sync_copy(fx_hbm.at[bb, pl.ds(r0, _R), :], fxbuf)
            pltpu.sync_copy(fy_hbm.at[bb, pl.ds(r0, _R), :], fybuf)

            def arow(ri, rcarry):
                xval = (r0 + ri).astype(jnp.float32) * (1.0 / (_H - 1))
                xvec = jnp.full((16,), 1.0, jnp.float32) * xval

                def ablk(pj, inner):
                    base = pj * 16
                    lab = lbuf[ri, pl.ds(base, 16)]
                    yvec = iota16 + jnp.float32(1.0 / (_W - 1)) * base
                    plsc.addupdate_scatter(aux, [lab], xvec)
                    plsc.addupdate_scatter(aux, [lab + _S], yvec)
                    plsc.addupdate_scatter(aux, [lab + 2 * _S],
                                           fxbuf[ri, pl.ds(base, 16)])
                    plsc.addupdate_scatter(aux, [lab + 3 * _S],
                                           fybuf[ri, pl.ds(base, 16)])
                    plsc.addupdate_scatter(aux, [lab + 4 * _S], ones16)
                    return inner
                lax.fori_loop(0, _WB, ablk, 0, unroll=2)
                return rcarry
            lax.fori_loop(0, _R, arow, 0)
        return carry

    lax.fori_loop(0, _NCHUNK, chunk_body, 0)

    pltpu.sync_copy(acc, feat_out.at[wid, 0])
    pltpu.sync_copy(aux, aux_out.at[wid, 0])


def _dense_body(feat_ref, aux_ref, cg_ref, cb_ref, c1w_ref, c1b_ref,
                c2w_ref, c2b_ref, brg_ref, brb_ref, srw_ref, srb_ref,
                b5g_ref, b5b_ref, mwx_ref, mwr_ref, mb_ref,
                siam_ref, pos_ref):
    aux = jnp.sum(aux_ref[...], axis=0)
    xx_s, yy_s, fx_s, fy_s, cnt = aux[0], aux[1], aux[2], aux[3], aux[4]
    cts = jnp.maximum(cnt, 1.0)
    xx = xx_s / cts
    yy = yy_s / cts
    fxp = fx_s / cts
    fyp = fy_s / cts

    f = feat_ref[...]
    X = jnp.concatenate([f[0], f[1]], axis=1) / cts[None, :]

    cg = cg_ref[...]
    cb = cb_ref[...]

    def bn1(v, gamma, beta):
        mu = jnp.mean(v)
        var = jnp.mean((v - mu) ** 2)
        return (v - mu) / jnp.sqrt(var + 1e-5) * gamma + beta

    c0 = bn1(xx, cg[0], cb[0])
    c1 = bn1(yy, cg[1], cb[1])
    c2 = bn1(fxp, cg[2], cb[2])
    c3 = bn1(fyp, cg[3], cb[3])

    w1 = c1w_ref[...]
    x1 = (w1[:, 0][:, None] * c0[None, :] + w1[:, 1][:, None] * c1[None, :]
          + w1[:, 2][:, None] * c2[None, :] + w1[:, 3][:, None] * c3[None, :]
          + c1b_ref[...][:, None])
    x2 = jnp.dot(c2w_ref[...], x1, preferred_element_type=jnp.float32)
    x2 = jnp.maximum(x2 + c2b_ref[...][:, None], 0.0)

    mu_c = jnp.mean(X, axis=1)[:, None]
    var_c = jnp.mean((X - mu_c) ** 2, axis=1)[:, None]
    psn = ((X - mu_c) / jnp.sqrt(var_c + 1e-5)
           * brg_ref[...][:, None] + brb_ref[...][:, None])

    r = jnp.dot(srw_ref[...], psn, preferred_element_type=jnp.float32)
    r = r + srb_ref[...][:, None]
    mu_r = jnp.mean(r, axis=1)[:, None]
    var_r = jnp.mean((r - mu_r) ** 2, axis=1)[:, None]
    rn = ((r - mu_r) / jnp.sqrt(var_r + 1e-5)
          * b5g_ref[...][:, None] + b5b_ref[...][:, None])
    rn = jnp.maximum(rn, 0.0)

    siam_t = (jnp.dot(mwx_ref[...], x2, preferred_element_type=jnp.float32)
              + jnp.dot(mwr_ref[...], rn, preferred_element_type=jnp.float32)
              + mb_ref[...][:, None])
    siam_ref[...] = siam_t.T
    pos_ref[...] = jnp.concatenate([xx[:, None], yy[:, None]], axis=1)


_dense_call = pl.pallas_call(
    _dense_body,
    out_shape=[
        jax.ShapeDtypeStruct((_NSEG, _C), jnp.float32),
        jax.ShapeDtypeStruct((_NSEG, 2), jnp.float32),
    ],
)


def kernel(image, fx, fy, autoenc_feats, labels, bn_coords_g, bn_coords_b,
           c1_w, c1_b, c2_w, c2_b, bn_reduc_g, bn_reduc_b, sr_w, sr_b,
           bn512_g, bn512_b, m_w, m_b):
    labs = labels.reshape(_B, _H, _W)
    fxf = fx.reshape(_B, _H, _W)
    fyf = fy.reshape(_B, _H, _W)

    feat_sums, aux_raw = _sc_pool(autoenc_feats, labs, fxf, fyf)
    feat_sums = feat_sums.reshape(_B, _C, _S)
    aux_raw = (aux_raw.reshape(_B, _NG, 5, _S)
               .transpose(1, 2, 0, 3).reshape(_NG, 5, _NSEG))

    siam, pos = _dense_call(
        feat_sums, aux_raw,
        bn_coords_g, bn_coords_b, c1_w, c1_b, c2_w, c2_b,
        bn_reduc_g, bn_reduc_b, sr_w, sr_b, bn512_g, bn512_b,
        m_w[:, :64], m_w[:, 64:], m_b)
    return siam, pos

# --- scband reference (transcript-rebuilt; emitter-appended) ---
"""Pipeline reference for scband-loc-motion-appearance-17995912970709 (READ-ONLY COPY).

The authoritative reference and input builder live on the scoring server;
editing this copy changes nothing except your own understanding.
"""

import jax, jax.numpy as jnp
import numpy as np

B = 2
C_SKIP = 256
H = 384
W = 384
S = 1200
N_SEGS = B * S


def make_coord_map(bs, w, h):
    xx = jnp.tile((jnp.arange(w, dtype=jnp.float32) / (w - 1))[None, None, :, None], (bs, 1, 1, h))
    yy = jnp.tile((jnp.arange(h, dtype=jnp.float32) / (h - 1))[None, None, None, :], (bs, 1, w, 1))
    return xx, yy


def sp_pool(feats, lin_labels, n_segs):
    C = feats.shape[1]
    f = feats.transpose(0, 2, 3, 1).reshape(-1, C)
    ids = lin_labels.reshape(-1)
    sums = jax.ops.segment_sum(f, ids, num_segments=n_segs)
    cnt = jax.ops.segment_sum(jnp.ones((ids.shape[0],), f.dtype), ids, num_segments=n_segs)
    return sums / jnp.maximum(cnt, 1.0)[:, None]


def bn_train(x, gamma, beta, axes):
    mean = jnp.mean(x, axis=axes, keepdims=True)
    var = jnp.var(x, axis=axes, keepdims=True)
    shp = [1] * x.ndim
    shp[1] = -1
    return (x - mean) / jnp.sqrt(var + 1e-5) * gamma.reshape(shp) + beta.reshape(shp)


def setup_inputs(seed=0):
    key = jax.random.key(seed)
    ks = jax.random.split(key, 12)
    inp = {}
    inp["image"] = jax.random.normal(ks[0], (B, 3, H, W), dtype=jnp.float32)
    inp["fx"] = jax.random.normal(ks[1], (B, 1, H, W), dtype=jnp.float32)
    inp["fy"] = jax.random.normal(ks[2], (B, 1, H, W), dtype=jnp.float32)
    inp["autoenc_feats"] = jax.random.normal(ks[3], (B, C_SKIP, H, W), dtype=jnp.float32)
    inp["labels"] = jax.random.randint(ks[4], (B, 1, H, W), 0, S, dtype=jnp.int32)
    inp["bn_coords_g"] = jnp.ones((4,), jnp.float32)
    inp["bn_coords_b"] = jnp.zeros((4,), jnp.float32)
    inp["c1_w"] = jax.random.normal(ks[5], (32, 4), dtype=jnp.float32) * 0.1
    inp["c1_b"] = jnp.zeros((32,), jnp.float32)
    inp["c2_w"] = jax.random.normal(ks[6], (64, 32), dtype=jnp.float32) * 0.1
    inp["c2_b"] = jnp.zeros((64,), jnp.float32)
    inp["bn_reduc_g"] = jnp.ones((C_SKIP,), jnp.float32)
    inp["bn_reduc_b"] = jnp.zeros((C_SKIP,), jnp.float32)
    inp["sr_w"] = jax.random.normal(ks[7], (512, C_SKIP), dtype=jnp.float32) * 0.05
    inp["sr_b"] = jnp.zeros((512,), jnp.float32)
    inp["bn512_g"] = jnp.ones((512,), jnp.float32)
    inp["bn512_b"] = jnp.zeros((512,), jnp.float32)
    inp["m_w"] = jax.random.normal(ks[8], (256, 512 + 64), dtype=jnp.float32) * 0.05
    inp["m_b"] = jnp.zeros((256,), jnp.float32)
    return inp


def _forward(image, fx, fy, autoenc_feats, labels, bn_coords_g, bn_coords_b, c1_w, c1_b, c2_w, c2_b, bn_reduc_g, bn_reduc_b, sr_w, sr_b, bn512_g, bn512_b, m_w, m_b):
    bs = image.shape[0]
    w, h = image.shape[2], image.shape[3]
    lin = labels[:, 0] + jnp.arange(bs, dtype=labels.dtype)[:, None, None] * S
    xx_map, yy_map = make_coord_map(bs, w, h)
    xx = sp_pool(xx_map, lin, N_SEGS)[:, 0]
    yy = sp_pool(yy_map, lin, N_SEGS)[:, 0]
    fxp = sp_pool(fx, lin, N_SEGS)[:, 0]
    fyp = sp_pool(fy, lin, N_SEGS)[:, 0]
    coords_flows = jnp.stack((xx, yy, fxp, fyp), axis=1)
    cf = bn_train(coords_flows, bn_coords_g, bn_coords_b, (0,))
    x = cf.T[None]
    x = jnp.einsum('oc,bcn->bon', c1_w, x) + c1_b[None, :, None]
    x = jnp.einsum('oc,bcn->bon', c2_w, x) + c2_b[None, :, None]
    x = jax.nn.relu(x)
    pooled_skips = sp_pool(autoenc_feats, lin, N_SEGS)
    ps = bn_train(pooled_skips.T[None], bn_reduc_g, bn_reduc_b, (0, 2))
    r = jnp.einsum('oc,bcn->bon', sr_w, ps) + sr_b[None, :, None]
    r = bn_train(r, bn512_g, bn512_b, (0, 2))
    r = jax.nn.relu(r)
    siam = jnp.concatenate((x[0].T, r[0].T), axis=1)
    siam = siam @ m_w.T + m_b
    pos = jnp.stack((xx, yy)).T
    return siam, pos


def reference(image, fx, fy, autoenc_feats, labels, bn_coords_g, bn_coords_b, c1_w, c1_b, c2_w, c2_b, bn_reduc_g, bn_reduc_b, sr_w, sr_b, bn512_g, bn512_b, m_w, m_b):
    return _forward(image, fx, fy, autoenc_feats, labels, bn_coords_g, bn_coords_b, c1_w, c1_b, c2_w, c2_b, bn_reduc_g, bn_reduc_b, sr_w, sr_b, bn512_g, bn512_b, m_w, m_b)

if __name__ == "__main__":
    import jax
    _d = setup_inputs()
    print(jax.jit(kernel)(*tuple(_d.values())))

</pallas_src>

<mosaic_0001>
#map = affine_map<(d0, d1) -> (0, 0, 0, 0)>
#map1 = affine_map<(d0, d1) -> (0, 0, 0)>
module attributes {stable_mosaic.version = 14 : i64} {
  func.func @_sc_pool(%arg0: i32, %arg1: i32, %arg2: memref<2x256x384x384xf32, #tpu.memory_space<hbm>>, %arg3: memref<2x384x384xi32, #tpu.memory_space<hbm>>, %arg4: memref<2x384x384xf32, #tpu.memory_space<hbm>>, %arg5: memref<2x384x384xf32, #tpu.memory_space<hbm>>, %arg6: memref<32x1x19200xf32, #tpu.memory_space<hbm>>, %arg7: memref<32x1x6000xf32, #tpu.memory_space<hbm>>, %arg8: memref<16x8x384xf32, #tpu.memory_space<vmem>>, %arg9: memref<8x384xi32, #tpu.memory_space<vmem>>, %arg10: memref<8x384xf32, #tpu.memory_space<vmem>>, %arg11: memref<8x384xf32, #tpu.memory_space<vmem>>, %arg12: memref<19200xf32, #tpu.memory_space<vmem>>, %arg13: memref<6000xf32, #tpu.memory_space<vmem>>) attributes {dimension_semantics = [#tpu.dimension_semantics<core_parallel>, #tpu.dimension_semantics<subcore_parallel>], iteration_bounds = array<i64: 2, 16>, scalar_prefetch = 0 : i64, scratch_operands = 6 : i64, tpu.core_type = #tpu.core_type<sc_vector_subcore>, window_params = [{transform_indices = #map}, {transform_indices = #map1}, {transform_indices = #map1}, {transform_indices = #map1}, {transform_indices = #map1}, {transform_indices = #map1}]} {
    %mul3A = arith.constant 16 : i32
    %mul3A_0 = arith.muli %arg0, %mul3A : i32
    %add3A = arith.addi %mul3A_0, %arg1 : i32
    %mul3A_1 = arith.constant 16 : i32
    %mul3A_2 = arith.muli %arg1, %mul3A_1 : i32
    %broadcast_in_dim3A = arith.constant 0.000000e+00 : f32
    %broadcast_in_dim3A_3 = vector.broadcast %broadcast_in_dim3A : f32 to vector<16xf32>
    %broadcast_in_dim3A_4 = arith.constant 1.000000e+00 : f32
    %broadcast_in_dim3A_5 = vector.broadcast %broadcast_in_dim3A_4 : f32 to vector<16xf32>
    %iota3A = tpu.iota {dimensions = array<i32: 0>} : vector<16xi32>
    %convert_element_type3A = arith.sitofp %iota3A : vector<16xi32> to vector<16xf32>
    %mul3A_6 = arith.constant 0.0026109661 : f32
    %mul3A_7 = vector.broadcast %mul3A_6 : f32 to vector<16xf32>
    %mul3A_8 = arith.mulf %convert_element_type3A, %mul3A_7 : vector<16xf32>
    %scan3A = arith.constant 0 : i32
    %scan3A_9 = arith.constant 0 : i32
    %scan3A_10 = arith.constant 1200 : i32
    %scan3A_11 = arith.addi %scan3A_9, %scan3A_10 : i32
    %scan3A_12 = arith.constant 8 : i32
    scf.for %scan3A_68 = %scan3A_9 to %scan3A_11 step %scan3A_12  : i32 {
      %mul3A_69 = arith.constant 16 : i32
      %mul3A_70 = arith.muli %scan3A_68, %mul3A_69 : i32
      %swap3A_71 = arith.index_cast %mul3A_70 : i32 to index
      %swap3A_72 = tpu.vector_load %arg12[%swap3A_71] {strides = array<i32>} : memref<19200xf32, #tpu.memory_space<vmem>>, vector<16xf32>,
      tpu.vector_store %arg12[%swap3A_71], %broadcast_in_dim3A_3 {strides = array<i32>} : memref<19200xf32, #tpu.memory_space<vmem>>, vector<16xf32>,
      %scan3A_73 = arith.constant 1 : i32
      %scan3A_74 = arith.addi %scan3A_68, %scan3A_73 : i32
      %mul3A_75 = arith.constant 16 : i32
      %mul3A_76 = arith.muli %scan3A_74, %mul3A_75 : i32
      %swap3A_77 = arith.index_cast %mul3A_76 : i32 to index
      %swap3A_78 = tpu.vector_load %arg12[%swap3A_77] {strides = array<i32>} : memref<19200xf32, #tpu.memory_space<vmem>>, vector<16xf32>,
      tpu.vector_store %arg12[%swap3A_77], %broadcast_in_dim3A_3 {strides = array<i32>} : memref<19200xf32, #tpu.memory_space<vmem>>, vector<16xf32>,
      %scan3A_79 = arith.constant 2 : i32
      %scan3A_80 = arith.addi %scan3A_68, %scan3A_79 : i32
      %mul3A_81 = arith.constant 16 : i32
      %mul3A_82 = arith.muli %scan3A_80, %mul3A_81 : i32
      %swap3A_83 = arith.index_cast %mul3A_82 : i32 to index
      %swap3A_84 = tpu.vector_load %arg12[%swap3A_83] {strides = array<i32>} : memref<19200xf32, #tpu.memory_space<vmem>>, vector<16xf32>,
      tpu.vector_store %arg12[%swap3A_83], %broadcast_in_dim3A_3 {strides = array<i32>} : memref<19200xf32, #tpu.memory_space<vmem>>, vector<16xf32>,
      %scan3A_85 = arith.constant 3 : i32
      %scan3A_86 = arith.addi %scan3A_68, %scan3A_85 : i32
      %mul3A_87 = arith.constant 16 : i32
      %mul3A_88 = arith.muli %scan3A_86, %mul3A_87 : i32
      %swap3A_89 = arith.index_cast %mul3A_88 : i32 to index
      %swap3A_90 = tpu.vector_load %arg12[%swap3A_89] {strides = array<i32>} : memref<19200xf32, #tpu.memory_space<vmem>>, vector<16xf32>,
      tpu.vector_store %arg12[%swap3A_89], %broadcast_in_dim3A_3 {strides = array<i32>} : memref<19200xf32, #tpu.memory_space<vmem>>, vector<16xf32>,
      %scan3A_91 = arith.constant 4 : i32
      %scan3A_92 = arith.addi %scan3A_68, %scan3A_91 : i32
      %mul3A_93 = arith.constant 16 : i32
      %mul3A_94 = arith.muli %scan3A_92, %mul3A_93 : i32
      %swap3A_95 = arith.index_cast %mul3A_94 : i32 to index
      %swap3A_96 = tpu.vector_load %arg12[%swap3A_95] {strides = array<i32>} : memref<19200xf32, #tpu.memory_space<vmem>>, vector<16xf32>,
      tpu.vector_store %arg12[%swap3A_95], %broadcast_in_dim3A_3 {strides = array<i32>} : memref<19200xf32, #tpu.memory_space<vmem>>, vector<16xf32>,
      %scan3A_97 = arith.constant 5 : i32
      %scan3A_98 = arith.addi %scan3A_68, %scan3A_97 : i32
      %mul3A_99 = arith.constant 16 : i32
      %mul3A_100 = arith.muli %scan3A_98, %mul3A_99 : i32
      %swap3A_101 = arith.index_cast %mul3A_100 : i32 to index
      %swap3A_102 = tpu.vector_load %arg12[%swap3A_101] {strides = array<i32>} : memref<19200xf32, #tpu.memory_space<vmem>>, vector<16xf32>,
      tpu.vector_store %arg12[%swap3A_101], %broadcast_in_dim3A_3 {strides = array<i32>} : memref<19200xf32, #tpu.memory_space<vmem>>, vector<16xf32>,
      %scan3A_103 = arith.constant 6 : i32
      %scan3A_104 = arith.addi %scan3A_68, %scan3A_103 : i32
      %mul3A_105 = arith.constant 16 : i32
      %mul3A_106 = arith.muli %scan3A_104, %mul3A_105 : i32
      %swap3A_107 = arith.index_cast %mul3A_106 : i32 to index
      %swap3A_108 = tpu.vector_load %arg12[%swap3A_107] {strides = array<i32>} : memref<19200xf32, #tpu.memory_space<vmem>>, vector<16xf32>,
      tpu.vector_store %arg12[%swap3A_107], %broadcast_in_dim3A_3 {strides = array<i32>} : memref<19200xf32, #tpu.memory_space<vmem>>, vector<16xf32>,
      %scan3A_109 = arith.constant 7 : i32
      %scan3A_110 = arith.addi %scan3A_68, %scan3A_109 : i32
      %mul3A_111 = arith.constant 16 : i32
      %mul3A_112 = arith.muli %scan3A_110, %mul3A_111 : i32
      %swap3A_113 = arith.index_cast %mul3A_112 : i32 to index
      %swap3A_114 = tpu.vector_load %arg12[%swap3A_113] {strides = array<i32>} : memref<19200xf32, #tpu.memory_space<vmem>>, vector<16xf32>,
      tpu.vector_store %arg12[%swap3A_113], %broadcast_in_dim3A_3 {strides = array<i32>} : memref<19200xf32, #tpu.memory_space<vmem>>, vector<16xf32>,
    }
    %scan3A_13 = arith.constant 1200 : i32
    %scan3A_14 = arith.constant 0 : i32
    %scan3A_15 = arith.constant 0 : i32
    %scan3A_16 = arith.constant 368 : i32
    %scan3A_17 = arith.addi %scan3A_15, %scan3A_16 : i32
    %scan3A_18 = arith.constant 8 : i32
    scf.for %scan3A_68 = %scan3A_15 to %scan3A_17 step %scan3A_18  : i32 {
      %mul3A_69 = arith.constant 16 : i32
      %mul3A_70 = arith.muli %scan3A_68, %mul3A_69 : i32
      %swap3A_71 = arith.index_cast %mul3A_70 : i32 to index
      %swap3A_72 = tpu.vector_load %arg13[%swap3A_71] {strides = array<i32>} : memref<6000xf32, #tpu.memory_space<vmem>>, vector<16xf32>,
      tpu.vector_store %arg13[%swap3A_71], %broadcast_in_dim3A_3 {strides = array<i32>} : memref<6000xf32, #tpu.memory_space<vmem>>, vector<16xf32>,
      %scan3A_73 = arith.constant 1 : i32
      %scan3A_74 = arith.addi %scan3A_68, %scan3A_73 : i32
      %mul3A_75 = arith.constant 16 : i32
      %mul3A_76 = arith.muli %scan3A_74, %mul3A_75 : i32
      %swap3A_77 = arith.index_cast %mul3A_76 : i32 to index
      %swap3A_78 = tpu.vector_load %arg13[%swap3A_77] {strides = array<i32>} : memref<6000xf32, #tpu.memory_space<vmem>>, vector<16xf32>,
      tpu.vector_store %arg13[%swap3A_77], %broadcast_in_dim3A_3 {strides = array<i32>} : memref<6000xf32, #tpu.memory_space<vmem>>, vector<16xf32>,
      %scan3A_79 = arith.constant 2 : i32
      %scan3A_80 = arith.addi %scan3A_68, %scan3A_79 : i32
      %mul3A_81 = arith.constant 16 : i32
      %mul3A_82 = arith.muli %scan3A_80, %mul3A_81 : i32
      %swap3A_83 = arith.index_cast %mul3A_82 : i32 to index
      %swap3A_84 = tpu.vector_load %arg13[%swap3A_83] {strides = array<i32>} : memref<6000xf32, #tpu.memory_space<vmem>>, vector<16xf32>,
      tpu.vector_store %arg13[%swap3A_83], %broadcast_in_dim3A_3 {strides = array<i32>} : memref<6000xf32, #tpu.memory_space<vmem>>, vector<16xf32>,
      %scan3A_85 = arith.constant 3 : i32
      %scan3A_86 = arith.addi %scan3A_68, %scan3A_85 : i32
      %mul3A_87 = arith.constant 16 : i32
      %mul3A_88 = arith.muli %scan3A_86, %mul3A_87 : i32
      %swap3A_89 = arith.index_cast %mul3A_88 : i32 to index
      %swap3A_90 = tpu.vector_load %arg13[%swap3A_89] {strides = array<i32>} : memref<6000xf32, #tpu.memory_space<vmem>>, vector<16xf32>,
      tpu.vector_store %arg13[%swap3A_89], %broadcast_in_dim3A_3 {strides = array<i32>} : memref<6000xf32, #tpu.memory_space<vmem>>, vector<16xf32>,
      %scan3A_91 = arith.constant 4 : i32
      %scan3A_92 = arith.addi %scan3A_68, %scan3A_91 : i32
      %mul3A_93 = arith.constant 16 : i32
      %mul3A_94 = arith.muli %scan3A_92, %mul3A_93 : i32
      %swap3A_95 = arith.index_cast %mul3A_94 : i32 to index
      %swap3A_96 = tpu.vector_load %arg13[%swap3A_95] {strides = array<i32>} : memref<6000xf32, #tpu.memory_space<vmem>>, vector<16xf32>,
      tpu.vector_store %arg13[%swap3A_95], %broadcast_in_dim3A_3 {strides = array<i32>} : memref<6000xf32, #tpu.memory_space<vmem>>, vector<16xf32>,
      %scan3A_97 = arith.constant 5 : i32
      %scan3A_98 = arith.addi %scan3A_68, %scan3A_97 : i32
      %mul3A_99 = arith.constant 16 : i32
      %mul3A_100 = arith.muli %scan3A_98, %mul3A_99 : i32
      %swap3A_101 = arith.index_cast %mul3A_100 : i32 to index
      %swap3A_102 = tpu.vector_load %arg13[%swap3A_101] {strides = array<i32>} : memref<6000xf32, #tpu.memory_space<vmem>>, vector<16xf32>,
      tpu.vector_store %arg13[%swap3A_101], %broadcast_in_dim3A_3 {strides = array<i32>} : memref<6000xf32, #tpu.memory_space<vmem>>, vector<16xf32>,
      %scan3A_103 = arith.constant 6 : i32
      %scan3A_104 = arith.addi %scan3A_68, %scan3A_103 : i32
      %mul3A_105 = arith.constant 16 : i32
      %mul3A_106 = arith.muli %scan3A_104, %mul3A_105 : i32
      %swap3A_107 = arith.index_cast %mul3A_106 : i32 to index
      %swap3A_108 = tpu.vector_load %arg13[%swap3A_107] {strides = array<i32>} : memref<6000xf32, #tpu.memory_space<vmem>>, vector<16xf32>,
      tpu.vector_store %arg13[%swap3A_107], %broadcast_in_dim3A_3 {strides = array<i32>} : memref<6000xf32, #tpu.memory_space<vmem>>, vector<16xf32>,
      %scan3A_109 = arith.constant 7 : i32
      %scan3A_110 = arith.addi %scan3A_68, %scan3A_109 : i32
      %mul3A_111 = arith.constant 16 : i32
      %mul3A_112 = arith.muli %scan3A_110, %mul3A_111 : i32
      %swap3A_113 = arith.index_cast %mul3A_112 : i32 to index
      %swap3A_114 = tpu.vector_load %arg13[%swap3A_113] {strides = array<i32>} : memref<6000xf32, #tpu.memory_space<vmem>>, vector<16xf32>,
      tpu.vector_store %arg13[%swap3A_113], %broadcast_in_dim3A_3 {strides = array<i32>} : memref<6000xf32, #tpu.memory_space<vmem>>, vector<16xf32>,
    }
    %scan3A_19 = arith.constant 368 : i32
    %scan3A_20 = arith.addi %scan3A_15, %scan3A_19 : i32
    %mul3A_21 = arith.constant 16 : i32
    %mul3A_22 = arith.muli %scan3A_20, %mul3A_21 : i32
    %swap3A = arith.index_cast %mul3A_22 : i32 to index
    %swap3A_23 = tpu.vector_load %arg13[%swap3A] {strides = array<i32>} : memref<6000xf32, #tpu.memory_space<vmem>>, vector<16xf32>,
    tpu.vector_store %arg13[%swap3A], %broadcast_in_dim3A_3 {strides = array<i32>} : memref<6000xf32, #tpu.memory_space<vmem>>, vector<16xf32>,
    %scan3A_24 = arith.constant 369 : i32
    %scan3A_25 = arith.addi %scan3A_15, %scan3A_24 : i32
    %mul3A_26 = arith.constant 16 : i32
    %mul3A_27 = arith.muli %scan3A_25, %mul3A_26 : i32
    %swap3A_28 = arith.index_cast %mul3A_27 : i32 to index
    %swap3A_29 = tpu.vector_load %arg13[%swap3A_28] {strides = array<i32>} : memref<6000xf32, #tpu.memory_space<vmem>>, vector<16xf32>,
    tpu.vector_store %arg13[%swap3A_28], %broadcast_in_dim3A_3 {strides = array<i32>} : memref<6000xf32, #tpu.memory_space<vmem>>, vector<16xf32>,
    %scan3A_30 = arith.constant 370 : i32
    %scan3A_31 = arith.addi %scan3A_15, %scan3A_30 : i32
    %mul3A_32 = arith.constant 16 : i32
    %mul3A_33 = arith.muli %scan3A_31, %mul3A_32 : i32
    %swap3A_34 = arith.index_cast %mul3A_33 : i32 to index
    %swap3A_35 = tpu.vector_load %arg13[%swap3A_34] {strides = array<i32>} : memref<6000xf32, #tpu.memory_space<vmem>>, vector<16xf32>,
    tpu.vector_store %arg13[%swap3A_34], %broadcast_in_dim3A_3 {strides = array<i32>} : memref<6000xf32, #tpu.memory_space<vmem>>, vector<16xf32>,
    %scan3A_36 = arith.constant 371 : i32
    %scan3A_37 = arith.addi %scan3A_15, %scan3A_36 : i32
    %mul3A_38 = arith.constant 16 : i32
    %mul3A_39 = arith.muli %scan3A_37, %mul3A_38 : i32
    %swap3A_40 = arith.index_cast %mul3A_39 : i32 to index
    %swap3A_41 = tpu.vector_load %arg13[%swap3A_40] {strides = array<i32>} : memref<6000xf32, #tpu.memory_space<vmem>>, vector<16xf32>,
    tpu.vector_store %arg13[%swap3A_40], %broadcast_in_dim3A_3 {strides = array<i32>} : memref<6000xf32, #tpu.memory_space<vmem>>, vector<16xf32>,
    %scan3A_42 = arith.constant 372 : i32
    %scan3A_43 = arith.addi %scan3A_15, %scan3A_42 : i32
    %mul3A_44 = arith.constant 16 : i32
    %mul3A_45 = arith.muli %scan3A_43, %mul3A_44 : i32
    %swap3A_46 = arith.index_cast %mul3A_45 : i32 to index
    %swap3A_47 = tpu.vector_load %arg13[%swap3A_46] {strides = array<i32>} : memref<6000xf32, #tpu.memory_space<vmem>>, vector<16xf32>,
    tpu.vector_store %arg13[%swap3A_46], %broadcast_in_dim3A_3 {strides = array<i32>} : memref<6000xf32, #tpu.memory_space<vmem>>, vector<16xf32>,
    %scan3A_48 = arith.constant 373 : i32
    %scan3A_49 = arith.addi %scan3A_15, %scan3A_48 : i32
    %mul3A_50 = arith.constant 16 : i32
    %mul3A_51 = arith.muli %scan3A_49, %mul3A_50 : i32
    %swap3A_52 = arith.index_cast %mul3A_51 : i32 to index
    %swap3A_53 = tpu.vector_load %arg13[%swap3A_52] {strides = array<i32>} : memref<6000xf32, #tpu.memory_space<vmem>>, vector<16xf32>,
    tpu.vector_store %arg13[%swap3A_52], %broadcast_in_dim3A_3 {strides = array<i32>} : memref<6000xf32, #tpu.memory_space<vmem>>, vector<16xf32>,
    %scan3A_54 = arith.constant 374 : i32
    %scan3A_55 = arith.addi %scan3A_15, %scan3A_54 : i32
    %mul3A_56 = arith.constant 16 : i32
    %mul3A_57 = arith.muli %scan3A_55, %mul3A_56 : i32
    %swap3A_58 = arith.index_cast %mul3A_57 : i32 to index
    %swap3A_59 = tpu.vector_load %arg13[%swap3A_58] {strides = array<i32>} : memref<6000xf32, #tpu.memory_space<vmem>>, vector<16xf32>,
    tpu.vector_store %arg13[%swap3A_58], %broadcast_in_dim3A_3 {strides = array<i32>} : memref<6000xf32, #tpu.memory_space<vmem>>, vector<16xf32>,
    %scan3A_60 = arith.constant 375 : i32
    %scan3A_61 = arith.constant 0 : i32
    %scan3A_62 = arith.constant 0 : i32
    %scan3A_63 = arith.constant 48 : i32
    %scan3A_64 = arith.addi %scan3A_62, %scan3A_63 : i32
    %scan3A_65 = arith.constant 1 : i32
    scf.for %scan3A_68 = %scan3A_62 to %scan3A_64 step %scan3A_65  : i32 {
      %mul3A_69 = arith.constant 8 : i32
      %mul3A_70 = arith.muli %scan3A_68, %mul3A_69 : i32
      "tpu.region"() ({
        %run_scoped3A_80 = tpu.sem_alloc : memref<!tpu.dma_semaphore, #tpu.memory_space<semaphore_mem>>
        %dma_start3A = arith.constant 0 : i32
        %dma_start3A_81 = tpu.memref_slice %arg2[%arg0, %mul3A_2, %mul3A_70, %dma_start3A] : memref<2x256x384x384xf32, #tpu.memory_space<hbm>> -> memref<1x16x8x384xf32, #tpu.memory_space<hbm>>
        %dma_start3A_82 = tpu.memref_squeeze %dma_start3A_81 : memref<1x16x8x384xf32, #tpu.memory_space<hbm>> -> memref<16x8x384xf32, #tpu.memory_space<hbm>>
        %dma_start3A_83 = arith.constant 0 : i32
        %dma_start3A_84 = tpu.memref_slice %arg2[%arg0, %mul3A_2, %mul3A_70, %dma_start3A_83] : memref<2x256x384x384xf32, #tpu.memory_space<hbm>> -> memref<1x16x8x384xf32, #tpu.memory_space<hbm>>
        %dma_start3A_85 = tpu.memref_squeeze %dma_start3A_84 : memref<1x16x8x384xf32, #tpu.memory_space<hbm>> -> memref<16x8x384xf32, #tpu.memory_space<hbm>>
        tpu.enqueue_dma source(%dma_start3A_85 : memref<16x8x384xf32, #tpu.memory_space<hbm>>) target(%arg8 : memref<16x8x384xf32, #tpu.memory_space<vmem>>) target_semaphore(%run_scoped3A_80 : memref<!tpu.dma_semaphore, #tpu.memory_space<semaphore_mem>>)
        %dma_wait3A = arith.constant 0 : i32
        %dma_wait3A_86 = tpu.memref_slice %arg2[%arg0, %mul3A_2, %mul3A_70, %dma_wait3A] : memref<2x256x384x384xf32, #tpu.memory_space<hbm>> -> memref<1x16x8x384xf32, #tpu.memory_space<hbm>>
        %dma_wait3A_87 = tpu.memref_squeeze %dma_wait3A_86 : memref<1x16x8x384xf32, #tpu.memory_space<hbm>> -> memref<16x8x384xf32, #tpu.memory_space<hbm>>
        %dma_wait3A_88 = arith.constant 0 : i32
        %dma_wait3A_89 = tpu.memref_slice %arg2[%arg0, %mul3A_2, %mul3A_70, %dma_wait3A_88] : memref<2x256x384x384xf32, #tpu.memory_space<hbm>> -> memref<1x16x8x384xf32, #tpu.memory_space<hbm>>
        %dma_wait3A_90 = tpu.memref_squeeze %dma_wait3A_89 : memref<1x16x8x384xf32, #tpu.memory_space<hbm>> -> memref<16x8x384xf32, #tpu.memory_space<hbm>>
        tpu.wait_dma2 semaphore(%run_scoped3A_80 : memref<!tpu.dma_semaphore, #tpu.memory_space<semaphore_mem>>) src(%dma_wait3A_90 : memref<16x8x384xf32, #tpu.memory_space<hbm>>) dst(%arg8 : memref<16x8x384xf32, #tpu.memory_space<vmem>>)
        tpu.yield
      }) : () -> ()
      "tpu.region"() ({
        %run_scoped3A_80 = tpu.sem_alloc : memref<!tpu.dma_semaphore, #tpu.memory_space<semaphore_mem>>
        %dma_start3A = arith.constant 0 : i32
        %dma_start3A_81 = tpu.memref_slice %arg3[%arg0, %mul3A_70, %dma_start3A] : memref<2x384x384xi32, #tpu.memory_space<hbm>> -> memref<1x8x384xi32, #tpu.memory_space<hbm>>
        %dma_start3A_82 = tpu.memref_squeeze %dma_start3A_81 : memref<1x8x384xi32, #tpu.memory_space<hbm>> -> memref<8x384xi32, #tpu.memory_space<hbm>>
        %dma_start3A_83 = arith.constant 0 : i32
        %dma_start3A_84 = tpu.memref_slice %arg3[%arg0, %mul3A_70, %dma_start3A_83] : memref<2x384x384xi32, #tpu.memory_space<hbm>> -> memref<1x8x384xi32, #tpu.memory_space<hbm>>
        %dma_start3A_85 = tpu.memref_squeeze %dma_start3A_84 : memref<1x8x384xi32, #tpu.memory_space<hbm>> -> memref<8x384xi32, #tpu.memory_space<hbm>>
        tpu.enqueue_dma source(%dma_start3A_85 : memref<8x384xi32, #tpu.memory_space<hbm>>) target(%arg9 : memref<8x384xi32, #tpu.memory_space<vmem>>) target_semaphore(%run_scoped3A_80 : memref<!tpu.dma_semaphore, #tpu.memory_space<semaphore_mem>>)
        %dma_wait3A = arith.constant 0 : i32
        %dma_wait3A_86 = tpu.memref_slice %arg3[%arg0, %mul3A_70, %dma_wait3A] : memref<2x384x384xi32, #tpu.memory_space<hbm>> -> memref<1x8x384xi32, #tpu.memory_space<hbm>>
        %dma_wait3A_87 = tpu.memref_squeeze %dma_wait3A_86 : memref<1x8x384xi32, #tpu.memory_space<hbm>> -> memref<8x384xi32, #tpu.memory_space<hbm>>
        %dma_wait3A_88 = arith.constant 0 : i32
        %dma_wait3A_89 = tpu.memref_slice %arg3[%arg0, %mul3A_70, %dma_wait3A_88] : memref<2x384x384xi32, #tpu.memory_space<hbm>> -> memref<1x8x384xi32, #tpu.memory_space<hbm>>
        %dma_wait3A_90 = tpu.memref_squeeze %dma_wait3A_89 : memref<1x8x384xi32, #tpu.memory_space<hbm>> -> memref<8x384xi32, #tpu.memory_space<hbm>>
        tpu.wait_dma2 semaphore(%run_scoped3A_80 : memref<!tpu.dma_semaphore, #tpu.memory_space<semaphore_mem>>) src(%dma_wait3A_90 : memref<8x384xi32, #tpu.memory_space<hbm>>) dst(%arg9 : memref<8x384xi32, #tpu.memory_space<vmem>>)
        tpu.yield
      }) : () -> ()
      %scan3A_71 = arith.constant 0 : i32
      %scan3A_72 = arith.constant 0 : i32
      %scan3A_73 = arith.constant 8 : i32
      %scan3A_74 = arith.addi %scan3A_72, %scan3A_73 : i32
      %scan3A_75 = arith.constant 1 : i32
      scf.for %scan3A_80 = %scan3A_72 to %scan3A_74 step %scan3A_75  : i32 {
        %scan3A_81 = arith.constant 0 : i32
        %scan3A_82 = arith.constant 0 : i32
        %scan3A_83 = arith.constant 24 : i32
        %scan3A_84 = arith.addi %scan3A_82, %scan3A_83 : i32
        %scan3A_85 = arith.constant 4 : i32
        scf.for %scan3A_87 = %scan3A_82 to %scan3A_84 step %scan3A_85  : i32 {
          %mul3A_88 = arith.constant 16 : i32
          %mul3A_89 = arith.muli %scan3A_87, %mul3A_88 : i32
          %get3A = arith.index_cast %scan3A_80 : i32 to index
          %get3A_90 = arith.index_cast %mul3A_89 : i32 to index
          %get3A_91 = tpu.vector_load %arg9[%get3A, %get3A_90] {strides = array<i32>} : memref<8x384xi32, #tpu.memory_space<vmem>>, vector<16xi32>,
          %get3A_92 = arith.constant 0 : i32
          %get3A_93 = arith.index_cast %get3A_92 : i32 to index
          %get3A_94 = arith.index_cast %scan3A_80 : i32 to index
          %get3A_95 = arith.index_cast %mul3A_89 : i32 to index
          %get3A_96 = tpu.vector_load %arg8[%get3A_93, %get3A_94, %get3A_95] {strides = array<i32>} : memref<16x8x384xf32, #tpu.memory_space<vmem>>, vector<16xf32>,
          %add3A_97 = arith.constant 0 : i32
          %add3A_98 = vector.broadcast %add3A_97 : i32 to vector<16xi32>
          %add3A_99 = arith.addi %get3A_91, %add3A_98 : vector<16xi32>
          tpu.vector_store_idx %arg12[%add3A_99], %get3A_96 {add = true} : memref<19200xf32, #tpu.memory_space<vmem>>[vector<16xi32>], vector<16xf32>,
          %get3A_100 = arith.constant 1 : i32
          %get3A_101 = arith.index_cast %get3A_100 : i32 to index
          %get3A_102 = arith.index_cast %scan3A_80 : i32 to index
          %get3A_103 = arith.index_cast %mul3A_89 : i32 to index
          %get3A_104 = tpu.vector_load %arg8[%get3A_101, %get3A_102, %get3A_103] {strides = array<i32>} : memref<16x8x384xf32, #tpu.memory_space<vmem>>, vector<16xf32>,
          %add3A_105 = arith.constant 1200 : i32
          %add3A_106 = vector.broadcast %add3A_105 : i32 to vector<16xi32>
          %add3A_107 = arith.addi %get3A_91, %add3A_106 : vector<16xi32>
          tpu.vector_store_idx %arg12[%add3A_107], %get3A_104 {add = true} : memref<19200xf32, #tpu.memory_space<vmem>>[vector<16xi32>], vector<16xf32>,
          %get3A_108 = arith.constant 2 : i32
          %get3A_109 = arith.index_cast %get3A_108 : i32 to index
          %get3A_110 = arith.index_cast %scan3A_80 : i32 to index
          %get3A_111 = arith.index_cast %mul3A_89 : i32 to index
          %get3A_112 = tpu.vector_load %arg8[%get3A_109, %get3A_110, %get3A_111] {strides = array<i32>} : memref<16x8x384xf32, #tpu.memory_space<vmem>>, vector<16xf32>,
          %add3A_113 = arith.constant 2400 : i32
          %add3A_114 = vector.broadcast %add3A_113 : i32 to vector<16xi32>
          %add3A_115 = arith.addi %get3A_91, %add3A_114 : vector<16xi32>
          tpu.vector_store_idx %arg12[%add3A_115], %get3A_112 {add = true} : memref<19200xf32, #tpu.memory_space<vmem>>[vector<16xi32>], vector<16xf32>,
          %get3A_116 = arith.constant 3 : i32
          %get3A_117 = arith.index_cast %get3A_116 : i32 to index
          %get3A_118 = arith.index_cast %scan3A_80 : i32 to index
          %get3A_119 = arith.index_cast %mul3A_89 : i32 to index
          %get3A_120 = tpu.vector_load %arg8[%get3A_117, %get3A_118, %get3A_119] {strides = array<i32>} : memref<16x8x384xf32, #tpu.memory_space<vmem>>, vector<16xf32>,
          %add3A_121 = arith.constant 3600 : i32
          %add3A_122 = vector.broadcast %add3A_121 : i32 to vector<16xi32>
          %add3A_123 = arith.addi %get3A_91, %add3A_122 : vector<16xi32>
          tpu.vector_store_idx %arg12[%add3A_123], %get3A_120 {add = true} : memref<19200xf32, #tpu.memory_space<vmem>>[vector<16xi32>], vector<16xf32>,
          %get3A_124 = arith.constant 4 : i32
          %get3A_125 = arith.index_cast %get3A_124 : i32 to index
          %get3A_126 = arith.index_cast %scan3A_80 : i32 to index
          %get3A_127 = arith.index_cast %mul3A_89 : i32 to index
          %get3A_128 = tpu.vector_load %arg8[%get3A_125, %get3A_126, %get3A_127] {strides = array<i32>} : memref<16x8x384xf32, #tpu.memory_space<vmem>>, vector<16xf32>,
          %add3A_129 = arith.constant 4800 : i32
          %add3A_130 = vector.broadcast %add3A_129 : i32 to vector<16xi32>
          %add3A_131 = arith.addi %get3A_91, %add3A_130 : vector<16xi32>
          tpu.vector_store_idx %arg12[%add3A_131], %get3A_128 {add = true} : memref<19200xf32, #tpu.memory_space<vmem>>[vector<16xi32>], vector<16xf32>,
          %get3A_132 = arith.constant 5 : i32
          %get3A_133 = arith.index_cast %get3A_132 : i32 to index
          %get3A_134 = arith.index_cast %scan3A_80 : i32 to index
          %get3A_135 = arith.index_cast %mul3A_89 : i32 to index
          %get3A_136 = tpu.vector_load %arg8[%get3A_133, %get3A_134, %get3A_135] {strides = array<i32>} : memref<16x8x384xf32, #tpu.memory_space<vmem>>, vector<16xf32>,
          %add3A_137 = arith.constant 6000 : i32
          %add3A_138 = vector.broadcast %add3A_137 : i32 to vector<16xi32>
          %add3A_139 = arith.addi %get3A_91, %add3A_138 : vector<16xi32>
          tpu.vector_store_idx %arg12[%add3A_139], %get3A_136 {add = true} : memref<19200xf32, #tpu.memory_space<vmem>>[vector<16xi32>], vector<16xf32>,
          %get3A_140 = arith.constant 6 : i32
          %get3A_141 = arith.index_cast %get3A_140 : i32 to index
          %get3A_142 = arith.index_cast %scan3A_80 : i32 to index
          %get3A_143 = arith.index_cast %mul3A_89 : i32 to index
          %get3A_144 = tpu.vector_load %arg8[%get3A_141, %get3A_142, %get3A_143] {strides = array<i32>} : memref<16x8x384xf32, #tpu.memory_space<vmem>>, vector<16xf32>,
          %add3A_145 = arith.constant 7200 : i32
          %add3A_146 = vector.broadcast %add3A_145 : i32 to vector<16xi32>
          %add3A_147 = arith.addi %get3A_91, %add3A_146 : vector<16xi32>
          tpu.vector_store_idx %arg12[%add3A_147], %get3A_144 {add = true} : memref<19200xf32, #tpu.memory_space<vmem>>[vector<16xi32>], vector<16xf32>,
          %get3A_148 = arith.constant 7 : i32
          %get3A_149 = arith.index_cast %get3A_148 : i32 to index
          %get3A_150 = arith.index_cast %scan3A_80 : i32 to index
          %get3A_151 = arith.index_cast %mul3A_89 : i32 to index
          %get3A_152 = tpu.vector_load %arg8[%get3A_149, %get3A_150, %get3A_151] {strides = array<i32>} : memref<16x8x384xf32, #tpu.memory_space<vmem>>, vector<16xf32>,
          %add3A_153 = arith.constant 8400 : i32
          %add3A_154 = vector.broadcast %add3A_153 : i32 to vector<16xi32>
          %add3A_155 = arith.addi %get3A_91, %add3A_154 : vector<16xi32>
          tpu.vector_store_idx %arg12[%add3A_155], %get3A_152 {add = true} : memref<19200xf32, #tpu.memory_space<vmem>>[vector<16xi32>], vector<16xf32>,
          %get3A_156 = arith.constant 8 : i32
          %get3A_157 = arith.index_cast %get3A_156 : i32 to index
          %get3A_158 = arith.index_cast %scan3A_80 : i32 to index
          %get3A_159 = arith.index_cast %mul3A_89 : i32 to index
          %get3A_160 = tpu.vector_load %arg8[%get3A_157, %get3A_158, %get3A_159] {strides = array<i32>} : memref<16x8x384xf32, #tpu.memory_space<vmem>>, vector<16xf32>,
          %add3A_161 = arith.constant 9600 : i32
          %add3A_162 = vector.broadcast %add3A_161 : i32 to vector<16xi32>
          %add3A_163 = arith.addi %get3A_91, %add3A_162 : vector<16xi32>
          tpu.vector_store_idx %arg12[%add3A_163], %get3A_160 {add = true} : memref<19200xf32, #tpu.memory_space<vmem>>[vector<16xi32>], vector<16xf32>,
          %get3A_164 = arith.constant 9 : i32
          %get3A_165 = arith.index_cast %get3A_164 : i32 to index
          %get3A_166 = arith.index_cast %scan3A_80 : i32 to index
          %get3A_167 = arith.index_cast %mul3A_89 : i32 to index
          %get3A_168 = tpu.vector_load %arg8[%get3A_165, %get3A_166, %get3A_167] {strides = array<i32>} : memref<16x8x384xf32, #tpu.memory_space<vmem>>, vector<16xf32>,
          %add3A_169 = arith.constant 10800 : i32
          %add3A_170 = vector.broadcast %add3A_169 : i32 to vector<16xi32>
          %add3A_171 = arith.addi %get3A_91, %add3A_170 : vector<16xi32>
          tpu.vector_store_idx %arg12[%add3A_171], %get3A_168 {add = true} : memref<19200xf32, #tpu.memory_space<vmem>>[vector<16xi32>], vector<16xf32>,
          %get3A_172 = arith.constant 10 : i32
          %get3A_173 = arith.index_cast %get3A_172 : i32 to index
          %get3A_174 = arith.index_cast %scan3A_80 : i32 to index
          %get3A_175 = arith.index_cast %mul3A_89 : i32 to index
          %get3A_176 = tpu.vector_load %arg8[%get3A_173, %get3A_174, %get3A_175] {strides = array<i32>} : memref<16x8x384xf32, #tpu.memory_space<vmem>>, vector<16xf32>,
          %add3A_177 = arith.constant 12000 : i32
          %add3A_178 = vector.broadcast %add3A_177 : i32 to vector<16xi32>
          %add3A_179 = arith.addi %get3A_91, %add3A_178 : vector<16xi32>
          tpu.vector_store_idx %arg12[%add3A_179], %get3A_176 {add = true} : memref<19200xf32, #tpu.memory_space<vmem>>[vector<16xi32>], vector<16xf32>,
          %get3A_180 = arith.constant 11 : i32
          %get3A_181 = arith.index_cast %get3A_180 : i32 to index
          %get3A_182 = arith.index_cast %scan3A_80 : i32 to index
          %get3A_183 = arith.index_cast %mul3A_89 : i32 to index
          %get3A_184 = tpu.vector_load %arg8[%get3A_181, %get3A_182, %get3A_183] {strides = array<i32>} : memref<16x8x384xf32, #tpu.memory_space<vmem>>, vector<16xf32>,
          %add3A_185 = arith.constant 13200 : i32
          %add3A_186 = vector.broadcast %add3A_185 : i32 to vector<16xi32>
          %add3A_187 = arith.addi %get3A_91, %add3A_186 : vector<16xi32>
          tpu.vector_store_idx %arg12[%add3A_187], %get3A_184 {add = true} : memref<19200xf32, #tpu.memory_space<vmem>>[vector<16xi32>], vector<16xf32>,
          %get3A_188 = arith.constant 12 : i32
          %get3A_189 = arith.index_cast %get3A_188 : i32 to index
          %get3A_190 = arith.index_cast %scan3A_80 : i32 to index
          %get3A_191 = arith.index_cast %mul3A_89 : i32 to index
          %get3A_192 = tpu.vector_load %arg8[%get3A_189, %get3A_190, %get3A_191] {strides = array<i32>} : memref<16x8x384xf32, #tpu.memory_space<vmem>>, vector<16xf32>,
          %add3A_193 = arith.constant 14400 : i32
          %add3A_194 = vector.broadcast %add3A_193 : i32 to vector<16xi32>
          %add3A_195 = arith.addi %get3A_91, %add3A_194 : vector<16xi32>
          tpu.vector_store_idx %arg12[%add3A_195], %get3A_192 {add = true} : memref<19200xf32, #tpu.memory_space<vmem>>[vector<16xi32>], vector<16xf32>,
          %get3A_196 = arith.constant 13 : i32
          %get3A_197 = arith.index_cast %get3A_196 : i32 to index
          %get3A_198 = arith.index_cast %scan3A_80 : i32 to index
          %get3A_199 = arith.index_cast %mul3A_89 : i32 to index
          %get3A_200 = tpu.vector_load %arg8[%get3A_197, %get3A_198, %get3A_199] {strides = array<i32>} : memref<16x8x384xf32, #tpu.memory_space<vmem>>, vector<16xf32>,
          %add3A_201 = arith.constant 15600 : i32
          %add3A_202 = vector.broadcast %add3A_201 : i32 to vector<16xi32>
          %add3A_203 = arith.addi %get3A_91, %add3A_202 : vector<16xi32>
          tpu.vector_store_idx %arg12[%add3A_203], %get3A_200 {add = true} : memref<19200xf32, #tpu.memory_space<vmem>>[vector<16xi32>], vector<16xf32>,
          %get3A_204 = arith.constant 14 : i32
          %get3A_205 = arith.index_cast %get3A_204 : i32 to index
          %get3A_206 = arith.index_cast %scan3A_80 : i32 to index
          %get3A_207 = arith.index_cast %mul3A_89 : i32 to index
          %get3A_208 = tpu.vector_load %arg8[%get3A_205, %get3A_206, %get3A_207] {strides = array<i32>} : memref<16x8x384xf32, #tpu.memory_space<vmem>>, vector<16xf32>,
          %add3A_209 = arith.constant 16800 : i32
          %add3A_210 = vector.broadcast %add3A_209 : i32 to vector<16xi32>
          %add3A_211 = arith.addi %get3A_91, %add3A_210 : vector<16xi32>
          tpu.vector_store_idx %arg12[%add3A_211], %get3A_208 {add = true} : memref<19200xf32, #tpu.memory_space<vmem>>[vector<16xi32>], vector<16xf32>,
          %get3A_212 = arith.constant 15 : i32
          %get3A_213 = arith.index_cast %get3A_212 : i32 to index
          %get3A_214 = arith.index_cast %scan3A_80 : i32 to index
          %get3A_215 = arith.index_cast %mul3A_89 : i32 to index
          %get3A_216 = tpu.vector_load %arg8[%get3A_213, %get3A_214, %get3A_215] {strides = array<i32>} : memref<16x8x384xf32, #tpu.memory_space<vmem>>, vector<16xf32>,
          %add3A_217 = arith.constant 18000 : i32
          %add3A_218 = vector.broadcast %add3A_217 : i32 to vector<16xi32>
          %add3A_219 = arith.addi %get3A_91, %add3A_218 : vector<16xi32>
          tpu.vector_store_idx %arg12[%add3A_219], %get3A_216 {add = true} : memref<19200xf32, #tpu.memory_space<vmem>>[vector<16xi32>], vector<16xf32>,
          %scan3A_220 = arith.constant 1 : i32
          %scan3A_221 = arith.addi %scan3A_87, %scan3A_220 : i32
          %mul3A_222 = arith.constant 16 : i32
          %mul3A_223 = arith.muli %scan3A_221, %mul3A_222 : i32
          %get3A_224 = arith.index_cast %scan3A_80 : i32 to index
          %get3A_225 = arith.index_cast %mul3A_223 : i32 to index
          %get3A_226 = tpu.vector_load %arg9[%get3A_224, %get3A_225] {strides = array<i32>} : memref<8x384xi32, #tpu.memory_space<vmem>>, vector<16xi32>,
          %get3A_227 = arith.constant 0 : i32
          %get3A_228 = arith.index_cast %get3A_227 : i32 to index
          %get3A_229 = arith.index_cast %scan3A_80 : i32 to index
          %get3A_230 = arith.index_cast %mul3A_223 : i32 to index
          %get3A_231 = tpu.vector_load %arg8[%get3A_228, %get3A_229, %get3A_230] {strides = array<i32>} : memref<16x8x384xf32, #tpu.memory_space<vmem>>, vector<16xf32>,
          %add3A_232 = arith.constant 0 : i32
          %add3A_233 = vector.broadcast %add3A_232 : i32 to vector<16xi32>
          %add3A_234 = arith.addi %get3A_226, %add3A_233 : vector<16xi32>
          tpu.vector_store_idx %arg12[%add3A_234], %get3A_231 {add = true} : memref<19200xf32, #tpu.memory_space<vmem>>[vector<16xi32>], vector<16xf32>,
          %get3A_235 = arith.constant 1 : i32
          %get3A_236 = arith.index_cast %get3A_235 : i32 to index
          %get3A_237 = arith.index_cast %scan3A_80 : i32 to index
          %get3A_238 = arith.index_cast %mul3A_223 : i32 to index
          %get3A_239 = tpu.vector_load %arg8[%get3A_236, %get3A_237, %get3A_238] {strides = array<i32>} : memref<16x8x384xf32, #tpu.memory_space<vmem>>, vector<16xf32>,
          %add3A_240 = arith.constant 1200 : i32
          %add3A_241 = vector.broadcast %add3A_240 : i32 to vector<16xi32>
          %add3A_242 = arith.addi %get3A_226, %add3A_241 : vector<16xi32>
          tpu.vector_store_idx %arg12[%add3A_242], %get3A_239 {add = true} : memref<19200xf32, #tpu.memory_space<vmem>>[vector<16xi32>], vector<16xf32>,
          %get3A_243 = arith.constant 2 : i32
          %get3A_244 = arith.index_cast %get3A_243 : i32 to index
          %get3A_245 = arith.index_cast %scan3A_80 : i32 to index
          %get3A_246 = arith.index_cast %mul3A_223 : i32 to index
          %get3A_247 = tpu.vector_load %arg8[%get3A_244, %get3A_245, %get3A_246] {strides = array<i32>} : memref<16x8x384xf32, #tpu.memory_space<vmem>>, vector<16xf32>,
          %add3A_248 = arith.constant 2400 : i32
          %add3A_249 = vector.broadcast %add3A_248 : i32 to vector<16xi32>
          %add3A_250 = arith.addi %get3A_226, %add3A_249 : vector<16xi32>
          tpu.vector_store_idx %arg12[%add3A_250], %get3A_247 {add = true} : memref<19200xf32, #tpu.memory_space<vmem>>[vector<16xi32>], vector<16xf32>,
          %get3A_251 = arith.constant 3 : i32
          %get3A_252 = arith.index_cast %get3A_251 : i32 to index
          %get3A_253 = arith.index_cast %scan3A_80 : i32 to index
          %get3A_254 = arith.index_cast %mul3A_223 : i32 to index
          %get3A_255 = tpu.vector_load %arg8[%get3A_252, %get3A_253, %get3A_254] {strides = array<i32>} : memref<16x8x384xf32, #tpu.memory_space<vmem>>, vector<16xf32>,
          %add3A_256 = arith.constant 3600 : i32
          %add3A_257 = vector.broadcast %add3A_256 : i32 to vector<16xi32>
          %add3A_258 = arith.addi %get3A_226, %add3A_257 : vector<16xi32>
          tpu.vector_store_idx %arg12[%add3A_258], %get3A_255 {add = true} : memref<19200xf32, #tpu.memory_space<vmem>>[vector<16xi32>], vector<16xf32>,
          %get3A_259 = arith.constant 4 : i32
          %get3A_260 = arith.index_cast %get3A_259 : i32 to index
          %get3A_261 = arith.index_cast %scan3A_80 : i32 to index
          %get3A_262 = arith.index_cast %mul3A_223 : i32 to index
          %get3A_263 = tpu.vector_load %arg8[%get3A_260, %get3A_261, %get3A_262] {strides = array<i32>} : memref<16x8x384xf32, #tpu.memory_space<vmem>>, vector<16xf32>,
          %add3A_264 = arith.constant 4800 : i32
          %add3A_265 = vector.broadcast %add3A_264 : i32 to vector<16xi32>
          %add3A_266 = arith.addi %get3A_226, %add3A_265 : vector<16xi32>
          tpu.vector_store_idx %arg12[%add3A_266], %get3A_263 {add = true} : memref<19200xf32, #tpu.memory_space<vmem>>[vector<16xi32>], vector<16xf32>,
          %get3A_267 = arith.constant 5 : i32
          %get3A_268 = arith.index_cast %get3A_267 : i32 to index
          %get3A_269 = arith.index_cast %scan3A_80 : i32 to index
          %get3A_270 = arith.index_cast %mul3A_223 : i32 to index
          %get3A_271 = tpu.vector_load %arg8[%get3A_268, %get3A_269, %get3A_270] {strides = array<i32>} : memref<16x8x384xf32, #tpu.memory_space<vmem>>, vector<16xf32>,
          %add3A_272 = arith.constant 6000 : i32
          %add3A_273 = vector.broadcast %add3A_272 : i32 to vector<16xi32>
          %add3A_274 = arith.addi %get3A_226, %add3A_273 : vector<16xi32>
          tpu.vector_store_idx %arg12[%add3A_274], %get3A_271 {add = true} : memref<19200xf32, #tpu.memory_space<vmem>>[vector<16xi32>], vector<16xf32>,
          %get3A_275 = arith.constant 6 : i32
          %get3A_276 = arith.index_cast %get3A_275 : i32 to index
          %get3A_277 = arith.index_cast %scan3A_80 : i32 to index
          %get3A_278 = arith.index_cast %mul3A_223 : i32 to index
          %get3A_279 = tpu.vector_load %arg8[%get3A_276, %get3A_277, %get3A_278] {strides = array<i32>} : memref<16x8x384xf32, #tpu.memory_space<vmem>>, vector<16xf32>,
          %add3A_280 = arith.constant 7200 : i32
          %add3A_281 = vector.broadcast %add3A_280 : i32 to vector<16xi32>
          %add3A_282 = arith.addi %get3A_226, %add3A_281 : vector<16xi32>
          tpu.vector_store_idx %arg12[%add3A_282], %get3A_279 {add = true} : memref<19200xf32, #tpu.memory_space<vmem>>[vector<16xi32>], vector<16xf32>,
          %get3A_283 = arith.constant 7 : i32
          %get3A_284 = arith.index_cast %get3A_283 : i32 to index
          %get3A_285 = arith.index_cast %scan3A_80 : i32 to index
          %get3A_286 = arith.index_cast %mul3A_223 : i32 to index
          %get3A_287 = tpu.vector_load %arg8[%get3A_284, %get3A_285, %get3A_286] {strides = array<i32>} : memref<16x8x384xf32, #tpu.memory_space<vmem>>, vector<16xf32>,
          %add3A_288 = arith.constant 8400 : i32
          %add3A_289 = vector.broadcast %add3A_288 : i32 to vector<16xi32>
          %add3A_290 = arith.addi %get3A_226, %add3A_289 : vector<16xi32>
          tpu.vector_store_idx %arg12[%add3A_290], %get3A_287 {add = true} : memref<19200xf32, #tpu.memory_space<vmem>>[vector<16xi32>], vector<16xf32>,
          %get3A_291 = arith.constant 8 : i32
          %get3A_292 = arith.index_cast %get3A_291 : i32 to index
          %get3A_293 = arith.index_cast %scan3A_80 : i32 to index
          %get3A_294 = arith.index_cast %mul3A_223 : i32 to index
          %get3A_295 = tpu.vector_load %arg8[%get3A_292, %get3A_293, %get3A_294] {strides = array<i32>} : memref<16x8x384xf32, #tpu.memory_space<vmem>>, vector<16xf32>,
          %add3A_296 = arith.constant 9600 : i32
          %add3A_297 = vector.broadcast %add3A_296 : i32 to vector<16xi32>
          %add3A_298 = arith.addi %get3A_226, %add3A_297 : vector<16xi32>
          tpu.vector_store_idx %arg12[%add3A_298], %get3A_295 {add = true} : memref<19200xf32, #tpu.memory_space<vmem>>[vector<16xi32>], vector<16xf32>,
          %get3A_299 = arith.constant 9 : i32
          %get3A_300 = arith.index_cast %get3A_299 : i32 to index
          %get3A_301 = arith.index_cast %scan3A_80 : i32 to index
          %get3A_302 = arith.index_cast %mul3A_223 : i32 to index
          %get3A_303 = tpu.vector_load %arg8[%get3A_300, %get3A_301, %get3A_302] {strides = array<i32>} : memref<16x8x384xf32, #tpu.memory_space<vmem>>, vector<16xf32>,
          %add3A_304 = arith.constant 10800 : i32
          %add3A_305 = vector.broadcast %add3A_304 : i32 to vector<16xi32>
          %add3A_306 = arith.addi %get3A_226, %add3A_305 : vector<16xi32>
          tpu.vector_store_idx %arg12[%add3A_306], %get3A_303 {add = true} : memref<19200xf32, #tpu.memory_space<vmem>>[vector<16xi32>], vector<16xf32>,
          %get3A_307 = arith.constant 10 : i32
          %get3A_308 = arith.index_cast %get3A_307 : i32 to index
          %get3A_309 = arith.index_cast %scan3A_80 : i32 to index
          %get3A_310 = arith.index_cast %mul3A_223 : i32 to index
          %get3A_311 = tpu.vector_load %arg8[%get3A_308, %get3A_309, %get3A_310] {strides = array<i32>} : memref<16x8x384xf32, #tpu.memory_space<vmem>>, vector<16xf32>,
          %add3A_312 = arith.constant 12000 : i32
          %add3A_313 = vector.broadcast %add3A_312 : i32 to vector<16xi32>
          %add3A_314 = arith.addi %get3A_226, %add3A_313 : vector<16xi32>
          tpu.vector_store_idx %arg12[%add3A_314], %get3A_311 {add = true} : memref<19200xf32, #tpu.memory_space<vmem>>[vector<16xi32>], vector<16xf32>,
          %get3A_315 = arith.constant 11 : i32
          %get3A_316 = arith.index_cast %get3A_315 : i32 to index
          %get3A_317 = arith.index_cast %scan3A_80 : i32 to index
          %get3A_318 = arith.index_cast %mul3A_223 : i32 to index
          %get3A_319 = tpu.vector_load %arg8[%get3A_316, %get3A_317, %get3A_318] {strides = array<i32>} : memref<16x8x384xf32, #tpu.memory_space<vmem>>, vector<16xf32>,
          %add3A_320 = arith.constant 13200 : i32
          %add3A_321 = vector.broadcast %add3A_320 : i32 to vector<16xi32>
          %add3A_322 = arith.addi %get3A_226, %add3A_321 : vector<16xi32>
          tpu.vector_store_idx %arg12[%add3A_322], %get3A_319 {add = true} : memref<19200xf32, #tpu.memory_space<vmem>>[vector<16xi32>], vector<16xf32>,
          %get3A_323 = arith.constant 12 : i32
          %get3A_324 = arith.index_cast %get3A_323 : i32 to index
          %get3A_325 = arith.index_cast %scan3A_80 : i32 to index
          %get3A_326 = arith.index_cast %mul3A_223 : i32 to index
          %get3A_327 = tpu.vector_load %arg8[%get3A_324, %get3A_325, %get3A_326] {strides = array<i32>} : memref<16x8x384xf32, #tpu.memory_space<vmem>>, vector<16xf32>,
          %add3A_328 = arith.constant 14400 : i32
          %add3A_329 = vector.broadcast %add3A_328 : i32 to vector<16xi32>
          %add3A_330 = arith.addi %get3A_226, %add3A_329 : vector<16xi32>
          tpu.vector_store_idx %arg12[%add3A_330], %get3A_327 {add = true} : memref<19200xf32, #tpu.memory_space<vmem>>[vector<16xi32>], vector<16xf32>,
          %get3A_331 = arith.constant 13 : i32
          %get3A_332 = arith.index_cast %get3A_331 : i32 to index
          %get3A_333 = arith.index_cast %scan3A_80 : i32 to index
          %get3A_334 = arith.index_cast %mul3A_223 : i32 to index
          %get3A_335 = tpu.vector_load %arg8[%get3A_332, %get3A_333, %get3A_334] {strides = array<i32>} : memref<16x8x384xf32, #tpu.memory_space<vmem>>, vector<16xf32>,
          %add3A_336 = arith.constant 15600 : i32
          %add3A_337 = vector.broadcast %add3A_336 : i32 to vector<16xi32>
          %add3A_338 = arith.addi %get3A_226, %add3A_337 : vector<16xi32>
          tpu.vector_store_idx %arg12[%add3A_338], %get3A_335 {add = true} : memref<19200xf32, #tpu.memory_space<vmem>>[vector<16xi32>], vector<16xf32>,
          %get3A_339 = arith.constant 14 : i32
          %get3A_340 = arith.index_cast %get3A_339 : i32 to index
          %get3A_341 = arith.index_cast %scan3A_80 : i32 to index
          %get3A_342 = arith.index_cast %mul3A_223 : i32 to index
          %get3A_343 = tpu.vector_load %arg8[%get3A_340, %get3A_341, %get3A_342] {strides = array<i32>} : memref<16x8x384xf32, #tpu.memory_space<vmem>>, vector<16xf32>,
          %add3A_344 = arith.constant 16800 : i32
          %add3A_345 = vector.broadcast %add3A_344 : i32 to vector<16xi32>
          %add3A_346 = arith.addi %get3A_226, %add3A_345 : vector<16xi32>
          tpu.vector_store_idx %arg12[%add3A_346], %get3A_343 {add = true} : memref<19200xf32, #tpu.memory_space<vmem>>[vector<16xi32>], vector<16xf32>,
          %get3A_347 = arith.constant 15 : i32
          %get3A_348 = arith.index_cast %get3A_347 : i32 to index
          %get3A_349 = arith.index_cast %scan3A_80 : i32 to index
          %get3A_350 = arith.index_cast %mul3A_223 : i32 to index
          %get3A_351 = tpu.vector_load %arg8[%get3A_348, %get3A_349, %get3A_350] {strides = array<i32>} : memref<16x8x384xf32, #tpu.memory_space<vmem>>, vector<16xf32>,
          %add3A_352 = arith.constant 18000 : i32
          %add3A_353 = vector.broadcast %add3A_352 : i32 to vector<16xi32>
          %add3A_354 = arith.addi %get3A_226, %add3A_353 : vector<16xi32>
          tpu.vector_store_idx %arg12[%add3A_354], %get3A_351 {add = true} : memref<19200xf32, #tpu.memory_space<vmem>>[vector<16xi32>], vector<16xf32>,
          %scan3A_355 = arith.constant 2 : i32
          %scan3A_356 = arith.addi %scan3A_87, %scan3A_355 : i32
          %mul3A_357 = arith.constant 16 : i32
          %mul3A_358 = arith.muli %scan3A_356, %mul3A_357 : i32
          %get3A_359 = arith.index_cast %scan3A_80 : i32 to index
          %get3A_360 = arith.index_cast %mul3A_358 : i32 to index
          %get3A_361 = tpu.vector_load %arg9[%get3A_359, %get3A_360] {strides = array<i32>} : memref<8x384xi32, #tpu.memory_space<vmem>>, vector<16xi32>,
          %get3A_362 = arith.constant 0 : i32
          %get3A_363 = arith.index_cast %get3A_362 : i32 to index
          %get3A_364 = arith.index_cast %scan3A_80 : i32 to index
          %get3A_365 = arith.index_cast %mul3A_358 : i32 to index
          %get3A_366 = tpu.vector_load %arg8[%get3A_363, %get3A_364, %get3A_365] {strides = array<i32>} : memref<16x8x384xf32, #tpu.memory_space<vmem>>, vector<16xf32>,
          %add3A_367 = arith.constant 0 : i32
          %add3A_368 = vector.broadcast %add3A_367 : i32 to vector<16xi32>
          %add3A_369 = arith.addi %get3A_361, %add3A_368 : vector<16xi32>
          tpu.vector_store_idx %arg12[%add3A_369], %get3A_366 {add = true} : memref<19200xf32, #tpu.memory_space<vmem>>[vector<16xi32>], vector<16xf32>,
          %get3A_370 = arith.constant 1 : i32
          %get3A_371 = arith.index_cast %get3A_370 : i32 to index
          %get3A_372 = arith.index_cast %scan3A_80 : i32 to index
          %get3A_373 = arith.index_cast %mul3A_358 : i32 to index
          %get3A_374 = tpu.vector_load %arg8[%get3A_371, %get3A_372, %get3A_373] {strides = array<i32>} : memref<16x8x384xf32, #tpu.memory_space<vmem>>, vector<16xf32>,
          %add3A_375 = arith.constant 1200 : i32
          %add3A_376 = vector.broadcast %add3A_375 : i32 to vector<16xi32>
          %add3A_377 = arith.addi %get3A_361, %add3A_376 : vector<16xi32>
          tpu.vector_store_idx %arg12[%add3A_377], %get3A_374 {add = true} : memref<19200xf32, #tpu.memory_space<vmem>>[vector<16xi32>], vector<16xf32>,
          %get3A_378 = arith.constant 2 : i32
          %get3A_379 = arith.index_cast %get3A_378 : i32 to index
          %get3A_380 = arith.index_cast %scan3A_80 : i32 to index
          %get3A_381 = arith.index_cast %mul3A_358 : i32 to index
          %get3A_382 = tpu.vector_load %arg8[%get3A_379, %get3A_380, %get3A_381] {strides = array<i32>} : memref<16x8x384xf32, #tpu.memory_space<vmem>>, vector<16xf32>,
          %add3A_383 = arith.constant 2400 : i32
          %add3A_384 = vector.broadcast %add3A_383 : i32 to vector<16xi32>
          %add3A_385 = arith.addi %get3A_361, %add3A_384 : vector<16xi32>
          tpu.vector_store_idx %arg12[%add3A_385], %get3A_382 {add = true} : memref<19200xf32, #tpu.memory_space<vmem>>[vector<16xi32>], vector<16xf32>,
          %get3A_386 = arith.constant 3 : i32
          %get3A_387 = arith.index_cast %get3A_386 : i32 to index
          %get3A_388 = arith.index_cast %scan3A_80 : i32 to index
          %get3A_389 = arith.index_cast %mul3A_358 : i32 to index
          %get3A_390 = tpu.vector_load %arg8[%get3A_387, %get3A_388, %get3A_389] {strides = array<i32>} : memref<16x8x384xf32, #tpu.memory_space<vmem>>, vector<16xf32>,
          %add3A_391 = arith.constant 3600 : i32
          %add3A_392 = vector.broadcast %add3A_391 : i32 to vector<16xi32>
          %add3A_393 = arith.addi %get3A_361, %add3A_392 : vector<16xi32>
          tpu.vector_store_idx %arg12[%add3A_393], %get3A_390 {add = true} : memref<19200xf32, #tpu.memory_space<vmem>>[vector<16xi32>], vector<16xf32>,
          %get3A_394 = arith.constant 4 : i32
          %get3A_395 = arith.index_cast %get3A_394 : i32 to index
          %get3A_396 = arith.index_cast %scan3A_80 : i32 to index
          %get3A_397 = arith.index_cast %mul3A_358 : i32 to index
          %get3A_398 = tpu.vector_load %arg8[%get3A_395, %get3A_396, %get3A_397] {strides = array<i32>} : memref<16x8x384xf32, #tpu.memory_space<vmem>>, vector<16xf32>,
          %add3A_399 = arith.constant 4800 : i32
          %add3A_400 = vector.broadcast %add3A_399 : i32 to vector<16xi32>
          %add3A_401 = arith.addi %get3A_361, %add3A_400 : vector<16xi32>
          tpu.vector_store_idx %arg12[%add3A_401], %get3A_398 {add = true} : memref<19200xf32, #tpu.memory_space<vmem>>[vector<16xi32>], vector<16xf32>,
          %get3A_402 = arith.constant 5 : i32
          %get3A_403 = arith.index_cast %get3A_402 : i32 to index
          %get3A_404 = arith.index_cast %scan3A_80 : i32 to index
          %get3A_405 = arith.index_cast %mul3A_358 : i32 to index
          %get3A_406 = tpu.vector_load %arg8[%get3A_403, %get3A_404, %get3A_405] {strides = array<i32>} : memref<16x8x384xf32, #tpu.memory_space<vmem>>, vector<16xf32>,
          %add3A_407 = arith.constant 6000 : i32
          %add3A_408 = vector.broadcast %add3A_407 : i32 to vector<16xi32>
          %add3A_409 = arith.addi %get3A_361, %add3A_408 : vector<16xi32>
          tpu.vector_store_idx %arg12[%add3A_409], %get3A_406 {add = true} : memref<19200xf32, #tpu.memory_space<vmem>>[vector<16xi32>], vector<16xf32>,
          %get3A_410 = arith.constant 6 : i32
          %get3A_411 = arith.index_cast %get3A_410 : i32 to index
          %get3A_412 = arith.index_cast %scan3A_80 : i32 to index
          %get3A_413 = arith.index_cast %mul3A_358 : i32 to index
          %get3A_414 = tpu.vector_load %arg8[%get3A_411, %get3A_412, %get3A_413] {strides = array<i32>} : memref<16x8x384xf32, #tpu.memory_space<vmem>>, vector<16xf32>,
          %add3A_415 = arith.constant 7200 : i32
          %add3A_416 = vector.broadcast %add3A_415 : i32 to vector<16xi32>
          %add3A_417 = arith.addi %get3A_361, %add3A_416 : vector<16xi32>
          tpu.vector_store_idx %arg12[%add3A_417], %get3A_414 {add = true} : memref<19200xf32, #tpu.memory_space<vmem>>[vector<16xi32>], vector<16xf32>,
          %get3A_418 = arith.constant 7 : i32
          %get3A_419 = arith.index_cast %get3A_418 : i32 to index
          %get3A_420 = arith.index_cast %scan3A_80 : i32 to index
          %get3A_421 = arith.index_cast %mul3A_358 : i32 to index
          %get3A_422 = tpu.vector_load %arg8[%get3A_419, %get3A_420, %get3A_421] {strides = array<i32>} : memref<16x8x384xf32, #tpu.memory_space<vmem>>, vector<16xf32>,
          %add3A_423 = arith.constant 8400 : i32
          %add3A_424 = vector.broadcast %add3A_423 : i32 to vector<16xi32>
          %add3A_425 = arith.addi %get3A_361, %add3A_424 : vector<16xi32>
          tpu.vector_store_idx %arg12[%add3A_425], %get3A_422 {add = true} : memref<19200xf32, #tpu.memory_space<vmem>>[vector<16xi32>], vector<16xf32>,
          %get3A_426 = arith.constant 8 : i32
          %get3A_427 = arith.index_cast %get3A_426 : i32 to index
          %get3A_428 = arith.index_cast %scan3A_80 : i32 to index
          %get3A_429 = arith.index_cast %mul3A_358 : i32 to index
          %get3A_430 = tpu.vector_load %arg8[%get3A_427, %get3A_428, %get3A_429] {strides = array<i32>} : memref<16x8x384xf32, #tpu.memory_space<vmem>>, vector<16xf32>,
          %add3A_431 = arith.constant 9600 : i32
          %add3A_432 = vector.broadcast %add3A_431 : i32 to vector<16xi32>
          %add3A_433 = arith.addi %get3A_361, %add3A_432 : vector<16xi32>
          tpu.vector_store_idx %arg12[%add3A_433], %get3A_430 {add = true} : memref<19200xf32, #tpu.memory_space<vmem>>[vector<16xi32>], vector<16xf32>,
          %get3A_434 = arith.constant 9 : i32
          %get3A_435 = arith.index_cast %get3A_434 : i32 to index
          %get3A_436 = arith.index_cast %scan3A_80 : i32 to index
          %get3A_437 = arith.index_cast %mul3A_358 : i32 to index
          %get3A_438 = tpu.vector_load %arg8[%get3A_435, %get3A_436, %get3A_437] {strides = array<i32>} : memref<16x8x384xf32, #tpu.memory_space<vmem>>, vector<16xf32>,
          %add3A_439 = arith.constant 10800 : i32
          %add3A_440 = vector.broadcast %add3A_439 : i32 to vector<16xi32>
          %add3A_441 = arith.addi %get3A_361, %add3A_440 : vector<16xi32>
          tpu.vector_store_idx %arg12[%add3A_441], %get3A_438 {add = true} : memref<19200xf32, #tpu.memory_space<vmem>>[vector<16xi32>], vector<16xf32>,
          %get3A_442 = arith.constant 10 : i32
          %get3A_443 = arith.index_cast %get3A_442 : i32 to index
          %get3A_444 = arith.index_cast %scan3A_80 : i32 to index
          %get3A_445 = arith.index_cast %mul3A_358 : i32 to index
          %get3A_446 = tpu.vector_load %arg8[%get3A_443, %get3A_444, %get3A_445] {strides = array<i32>} : memref<16x8x384xf32, #tpu.memory_space<vmem>>, vector<16xf32>,
          %add3A_447 = arith.constant 12000 : i32
          %add3A_448 = vector.broadcast %add3A_447 : i32 to vector<16xi32>
          %add3A_449 = arith.addi %get3A_361, %add3A_448 : vector<16xi32>
          tpu.vector_store_idx %arg12[%add3A_449], %get3A_446 {add = true} : memref<19200xf32, #tpu.memory_space<vmem>>[vector<16xi32>], vector<16xf32>,
          %get3A_450 = arith.constant 11 : i32
          %get3A_451 = arith.index_cast %get3A_450 : i32 to index
          %get3A_452 = arith.index_cast %scan3A_80 : i32 to index
          %get3A_453 = arith.index_cast %mul3A_358 : i32 to index
          %get3A_454 = tpu.vector_load %arg8[%get3A_451, %get3A_452, %get3A_453] {strides = array<i32>} : memref<16x8x384xf32, #tpu.memory_space<vmem>>, vector<16xf32>,
          %add3A_455 = arith.constant 13200 : i32
          %add3A_456 = vector.broadcast %add3A_455 : i32 to vector<16xi32>
          %add3A_457 = arith.addi %get3A_361, %add3A_456 : vector<16xi32>
          tpu.vector_store_idx %arg12[%add3A_457], %get3A_454 {add = true} : memref<19200xf32, #tpu.memory_space<vmem>>[vector<16xi32>], vector<16xf32>,
          %get3A_458 = arith.constant 12 : i32
          %get3A_459 = arith.index_cast %get3A_458 : i32 to index
          %get3A_460 = arith.index_cast %scan3A_80 : i32 to index
          %get3A_461 = arith.index_cast %mul3A_358 : i32 to index
          %get3A_462 = tpu.vector_load %arg8[%get3A_459, %get3A_460, %get3A_461] {strides = array<i32>} : memref<16x8x384xf32, #tpu.memory_space<vmem>>, vector<16xf32>,
          %add3A_463 = arith.constant 14400 : i32
          %add3A_464 = vector.broadcast %add3A_463 : i32 to vector<16xi32>
          %add3A_465 = arith.addi %get3A_361, %add3A_464 : vector<16xi32>
          tpu.vector_store_idx %arg12[%add3A_465], %get3A_462 {add = true} : memref<19200xf32, #tpu.memory_space<vmem>>[vector<16xi32>], vector<16xf32>,
          %get3A_466 = arith.constant 13 : i32
          %get3A_467 = arith.index_cast %get3A_466 : i32 to index
          %get3A_468 = arith.index_cast %scan3A_80 : i32 to index
          %get3A_469 = arith.index_cast %mul3A_358 : i32 to index
          %get3A_470 = tpu.vector_load %arg8[%get3A_467, %get3A_468, %get3A_469] {strides = array<i32>} : memref<16x8x384xf32, #tpu.memory_space<vmem>>, vector<16xf32>,
          %add3A_471 = arith.constant 15600 : i32
          %add3A_472 = vector.broadcast %add3A_471 : i32 to vector<16xi32>
          %add3A_473 = arith.addi %get3A_361, %add3A_472 : vector<16xi32>
          tpu.vector_store_idx %arg12[%add3A_473], %get3A_470 {add = true} : memref<19200xf32, #tpu.memory_space<vmem>>[vector<16xi32>], vector<16xf32>,
          %get3A_474 = arith.constant 14 : i32
          %get3A_475 = arith.index_cast %get3A_474 : i32 to index
          %get3A_476 = arith.index_cast %scan3A_80 : i32 to index
          %get3A_477 = arith.index_cast %mul3A_358 : i32 to index
          %get3A_478 = tpu.vector_load %arg8[%get3A_475, %get3A_476, %get3A_477] {strides = array<i32>} : memref<16x8x384xf32, #tpu.memory_space<vmem>>, vector<16xf32>,
          %add3A_479 = arith.constant 16800 : i32
          %add3A_480 = vector.broadcast %add3A_479 : i32 to vector<16xi32>
          %add3A_481 = arith.addi %get3A_361, %add3A_480 : vector<16xi32>
          tpu.vector_store_idx %arg12[%add3A_481], %get3A_478 {add = true} : memref<19200xf32, #tpu.memory_space<vmem>>[vector<16xi32>], vector<16xf32>,
          %get3A_482 = arith.constant 15 : i32
          %get3A_483 = arith.index_cast %get3A_482 : i32 to index
          %get3A_484 = arith.index_cast %scan3A_80 : i32 to index
          %get3A_485 = arith.index_cast %mul3A_358 : i32 to index
          %get3A_486 = tpu.vector_load %arg8[%get3A_483, %get3A_484, %get3A_485] {strides = array<i32>} : memref<16x8x384xf32, #tpu.memory_space<vmem>>, vector<16xf32>,
          %add3A_487 = arith.constant 18000 : i32
          %add3A_488 = vector.broadcast %add3A_487 : i32 to vector<16xi32>
          %add3A_489 = arith.addi %get3A_361, %add3A_488 : vector<16xi32>
          tpu.vector_store_idx %arg12[%add3A_489], %get3A_486 {add = true} : memref<19200xf32, #tpu.memory_space<vmem>>[vector<16xi32>], vector<16xf32>,
          %scan3A_490 = arith.constant 3 : i32
          %scan3A_491 = arith.addi %scan3A_87, %scan3A_490 : i32
          %mul3A_492 = arith.constant 16 : i32
          %mul3A_493 = arith.muli %scan3A_491, %mul3A_492 : i32
          %get3A_494 = arith.index_cast %scan3A_80 : i32 to index
          %get3A_495 = arith.index_cast %mul3A_493 : i32 to index
          %get3A_496 = tpu.vector_load %arg9[%get3A_494, %get3A_495] {strides = array<i32>} : memref<8x384xi32, #tpu.memory_space<vmem>>, vector<16xi32>,
          %get3A_497 = arith.constant 0 : i32
          %get3A_498 = arith.index_cast %get3A_497 : i32 to index
          %get3A_499 = arith.index_cast %scan3A_80 : i32 to index
          %get3A_500 = arith.index_cast %mul3A_493 : i32 to index
          %get3A_501 = tpu.vector_load %arg8[%get3A_498, %get3A_499, %get3A_500] {strides = array<i32>} : memref<16x8x384xf32, #tpu.memory_space<vmem>>, vector<16xf32>,
          %add3A_502 = arith.constant 0 : i32
          %add3A_503 = vector.broadcast %add3A_502 : i32 to vector<16xi32>
          %add3A_504 = arith.addi %get3A_496, %add3A_503 : vector<16xi32>
          tpu.vector_store_idx %arg12[%add3A_504], %get3A_501 {add = true} : memref<19200xf32, #tpu.memory_space<vmem>>[vector<16xi32>], vector<16xf32>,
          %get3A_505 = arith.constant 1 : i32
          %get3A_506 = arith.index_cast %get3A_505 : i32 to index
          %get3A_507 = arith.index_cast %scan3A_80 : i32 to index
          %get3A_508 = arith.index_cast %mul3A_493 : i32 to index
          %get3A_509 = tpu.vector_load %arg8[%get3A_506, %get3A_507, %get3A_508] {strides = array<i32>} : memref<16x8x384xf32, #tpu.memory_space<vmem>>, vector<16xf32>,
          %add3A_510 = arith.constant 1200 : i32
          %add3A_511 = vector.broadcast %add3A_510 : i32 to vector<16xi32>
          %add3A_512 = arith.addi %get3A_496, %add3A_511 : vector<16xi32>
          tpu.vector_store_idx %arg12[%add3A_512], %get3A_509 {add = true} : memref<19200xf32, #tpu.memory_space<vmem>>[vector<16xi32>], vector<16xf32>,
          %get3A_513 = arith.constant 2 : i32
          %get3A_514 = arith.index_cast %get3A_513 : i32 to index
          %get3A_515 = arith.index_cast %scan3A_80 : i32 to index
          %get3A_516 = arith.index_cast %mul3A_493 : i32 to index
          %get3A_517 = tpu.vector_load %arg8[%get3A_514, %get3A_515, %get3A_516] {strides = array<i32>} : memref<16x8x384xf32, #tpu.memory_space<vmem>>, vector<16xf32>,
          %add3A_518 = arith.constant 2400 : i32
          %add3A_519 = vector.broadcast %add3A_518 : i32 to vector<16xi32>
          %add3A_520 = arith.addi %get3A_496, %add3A_519 : vector<16xi32>
          tpu.vector_store_idx %arg12[%add3A_520], %get3A_517 {add = true} : memref<19200xf32, #tpu.memory_space<vmem>>[vector<16xi32>], vector<16xf32>,
          %get3A_521 = arith.constant 3 : i32
          %get3A_522 = arith.index_cast %get3A_521 : i32 to index
          %get3A_523 = arith.index_cast %scan3A_80 : i32 to index
          %get3A_524 = arith.index_cast %mul3A_493 : i32 to index
          %get3A_525 = tpu.vector_load %arg8[%get3A_522, %get3A_523, %get3A_524] {strides = array<i32>} : memref<16x8x384xf32, #tpu.memory_space<vmem>>, vector<16xf32>,
          %add3A_526 = arith.constant 3600 : i32
          %add3A_527 = vector.broadcast %add3A_526 : i32 to vector<16xi32>
          %add3A_528 = arith.addi %get3A_496, %add3A_527 : vector<16xi32>
          tpu.vector_store_idx %arg12[%add3A_528], %get3A_525 {add = true} : memref<19200xf32, #tpu.memory_space<vmem>>[vector<16xi32>], vector<16xf32>,
          %get3A_529 = arith.constant 4 : i32
          %get3A_530 = arith.index_cast %get3A_529 : i32 to index
          %get3A_531 = arith.index_cast %scan3A_80 : i32 to index
          %get3A_532 = arith.index_cast %mul3A_493 : i32 to index
          %get3A_533 = tpu.vector_load %arg8[%get3A_530, %get3A_531, %get3A_532] {strides = array<i32>} : memref<16x8x384xf32, #tpu.memory_space<vmem>>, vector<16xf32>,
          %add3A_534 = arith.constant 4800 : i32
          %add3A_535 = vector.broadcast %add3A_534 : i32 to vector<16xi32>
          %add3A_536 = arith.addi %get3A_496, %add3A_535 : vector<16xi32>
          tpu.vector_store_idx %arg12[%add3A_536], %get3A_533 {add = true} : memref<19200xf32, #tpu.memory_space<vmem>>[vector<16xi32>], vector<16xf32>,
          %get3A_537 = arith.constant 5 : i32
          %get3A_538 = arith.index_cast %get3A_537 : i32 to index
          %get3A_539 = arith.index_cast %scan3A_80 : i32 to index
          %get3A_540 = arith.index_cast %mul3A_493 : i32 to index
          %get3A_541 = tpu.vector_load %arg8[%get3A_538, %get3A_539, %get3A_540] {strides = array<i32>} : memref<16x8x384xf32, #tpu.memory_space<vmem>>, vector<16xf32>,
          %add3A_542 = arith.constant 6000 : i32
          %add3A_543 = vector.broadcast %add3A_542 : i32 to vector<16xi32>
          %add3A_544 = arith.addi %get3A_496, %add3A_543 : vector<16xi32>
          tpu.vector_store_idx %arg12[%add3A_544], %get3A_541 {add = true} : memref<19200xf32, #tpu.memory_space<vmem>>[vector<16xi32>], vector<16xf32>,
          %get3A_545 = arith.constant 6 : i32
          %get3A_546 = arith.index_cast %get3A_545 : i32 to index
          %get3A_547 = arith.index_cast %scan3A_80 : i32 to index
          %get3A_548 = arith.index_cast %mul3A_493 : i32 to index
          %get3A_549 = tpu.vector_load %arg8[%get3A_546, %get3A_547, %get3A_548] {strides = array<i32>} : memref<16x8x384xf32, #tpu.memory_space<vmem>>, vector<16xf32>,
          %add3A_550 = arith.constant 7200 : i32
          %add3A_551 = vector.broadcast %add3A_550 : i32 to vector<16xi32>
          %add3A_552 = arith.addi %get3A_496, %add3A_551 : vector<16xi32>
          tpu.vector_store_idx %arg12[%add3A_552], %get3A_549 {add = true} : memref<19200xf32, #tpu.memory_space<vmem>>[vector<16xi32>], vector<16xf32>,
          %get3A_553 = arith.constant 7 : i32
          %get3A_554 = arith.index_cast %get3A_553 : i32 to index
          %get3A_555 = arith.index_cast %scan3A_80 : i32 to index
          %get3A_556 = arith.index_cast %mul3A_493 : i32 to index
          %get3A_557 = tpu.vector_load %arg8[%get3A_554, %get3A_555, %get3A_556] {strides = array<i32>} : memref<16x8x384xf32, #tpu.memory_space<vmem>>, vector<16xf32>,
          %add3A_558 = arith.constant 8400 : i32
          %add3A_559 = vector.broadcast %add3A_558 : i32 to vector<16xi32>
          %add3A_560 = arith.addi %get3A_496, %add3A_559 : vector<16xi32>
          tpu.vector_store_idx %arg12[%add3A_560], %get3A_557 {add = true} : memref<19200xf32, #tpu.memory_space<vmem>>[vector<16xi32>], vector<16xf32>,
          %get3A_561 = arith.constant 8 : i32
          %get3A_562 = arith.index_cast %get3A_561 : i32 to index
          %get3A_563 = arith.index_cast %scan3A_80 : i32 to index
          %get3A_564 = arith.index_cast %mul3A_493 : i32 to index
          %get3A_565 = tpu.vector_load %arg8[%get3A_562, %get3A_563, %get3A_564] {strides = array<i32>} : memref<16x8x384xf32, #tpu.memory_space<vmem>>, vector<16xf32>,
          %add3A_566 = arith.constant 9600 : i32
          %add3A_567 = vector.broadcast %add3A_566 : i32 to vector<16xi32>
          %add3A_568 = arith.addi %get3A_496, %add3A_567 : vector<16xi32>
          tpu.vector_store_idx %arg12[%add3A_568], %get3A_565 {add = true} : memref<19200xf32, #tpu.memory_space<vmem>>[vector<16xi32>], vector<16xf32>,
          %get3A_569 = arith.constant 9 : i32
          %get3A_570 = arith.index_cast %get3A_569 : i32 to index
          %get3A_571 = arith.index_cast %scan3A_80 : i32 to index
          %get3A_572 = arith.index_cast %mul3A_493 : i32 to index
          %get3A_573 = tpu.vector_load %arg8[%get3A_570, %get3A_571, %get3A_572] {strides = array<i32>} : memref<16x8x384xf32, #tpu.memory_space<vmem>>, vector<16xf32>,
          %add3A_574 = arith.constant 10800 : i32
          %add3A_575 = vector.broadcast %add3A_574 : i32 to vector<16xi32>
          %add3A_576 = arith.addi %get3A_496, %add3A_575 : vector<16xi32>
          tpu.vector_store_idx %arg12[%add3A_576], %get3A_573 {add = true} : memref<19200xf32, #tpu.memory_space<vmem>>[vector<16xi32>], vector<16xf32>,
          %get3A_577 = arith.constant 10 : i32
          %get3A_578 = arith.index_cast %get3A_577 : i32 to index
          %get3A_579 = arith.index_cast %scan3A_80 : i32 to index
          %get3A_580 = arith.index_cast %mul3A_493 : i32 to index
          %get3A_581 = tpu.vector_load %arg8[%get3A_578, %get3A_579, %get3A_580] {strides = array<i32>} : memref<16x8x384xf32, #tpu.memory_space<vmem>>, vector<16xf32>,
          %add3A_582 = arith.constant 12000 : i32
          %add3A_583 = vector.broadcast %add3A_582 : i32 to vector<16xi32>
          %add3A_584 = arith.addi %get3A_496, %add3A_583 : vector<16xi32>
          tpu.vector_store_idx %arg12[%add3A_584], %get3A_581 {add = true} : memref<19200xf32, #tpu.memory_space<vmem>>[vector<16xi32>], vector<16xf32>,
          %get3A_585 = arith.constant 11 : i32
          %get3A_586 = arith.index_cast %get3A_585 : i32 to index
          %get3A_587 = arith.index_cast %scan3A_80 : i32 to index
          %get3A_588 = arith.index_cast %mul3A_493 : i32 to index
          %get3A_589 = tpu.vector_load %arg8[%get3A_586, %get3A_587, %get3A_588] {strides = array<i32>} : memref<16x8x384xf32, #tpu.memory_space<vmem>>, vector<16xf32>,
          %add3A_590 = arith.constant 13200 : i32
          %add3A_591 = vector.broadcast %add3A_590 : i32 to vector<16xi32>
          %add3A_592 = arith.addi %get3A_496, %add3A_591 : vector<16xi32>
          tpu.vector_store_idx %arg12[%add3A_592], %get3A_589 {add = true} : memref<19200xf32, #tpu.memory_space<vmem>>[vector<16xi32>], vector<16xf32>,
          %get3A_593 = arith.constant 12 : i32
          %get3A_594 = arith.index_cast %get3A_593 : i32 to index
          %get3A_595 = arith.index_cast %scan3A_80 : i32 to index
          %get3A_596 = arith.index_cast %mul3A_493 : i32 to index
          %get3A_597 = tpu.vector_load %arg8[%get3A_594, %get3A_595, %get3A_596] {strides = array<i32>} : memref<16x8x384xf32, #tpu.memory_space<vmem>>, vector<16xf32>,
          %add3A_598 = arith.constant 14400 : i32
          %add3A_599 = vector.broadcast %add3A_598 : i32 to vector<16xi32>
          %add3A_600 = arith.addi %get3A_496, %add3A_599 : vector<16xi32>
          tpu.vector_store_idx %arg12[%add3A_600], %get3A_597 {add = true} : memref<19200xf32, #tpu.memory_space<vmem>>[vector<16xi32>], vector<16xf32>,
          %get3A_601 = arith.constant 13 : i32
          %get3A_602 = arith.index_cast %get3A_601 : i32 to index
          %get3A_603 = arith.index_cast %scan3A_80 : i32 to index
          %get3A_604 = arith.index_cast %mul3A_493 : i32 to index
          %get3A_605 = tpu.vector_load %arg8[%get3A_602, %get3A_603, %get3A_604] {strides = array<i32>} : memref<16x8x384xf32, #tpu.memory_space<vmem>>, vector<16xf32>,
          %add3A_606 = arith.constant 15600 : i32
          %add3A_607 = vector.broadcast %add3A_606 : i32 to vector<16xi32>
          %add3A_608 = arith.addi %get3A_496, %add3A_607 : vector<16xi32>
          tpu.vector_store_idx %arg12[%add3A_608], %get3A_605 {add = true} : memref<19200xf32, #tpu.memory_space<vmem>>[vector<16xi32>], vector<16xf32>,
          %get3A_609 = arith.constant 14 : i32
          %get3A_610 = arith.index_cast %get3A_609 : i32 to index
          %get3A_611 = arith.index_cast %scan3A_80 : i32 to index
          %get3A_612 = arith.index_cast %mul3A_493 : i32 to index
          %get3A_613 = tpu.vector_load %arg8[%get3A_610, %get3A_611, %get3A_612] {strides = array<i32>} : memref<16x8x384xf32, #tpu.memory_space<vmem>>, vector<16xf32>,
          %add3A_614 = arith.constant 16800 : i32
          %add3A_615 = vector.broadcast %add3A_614 : i32 to vector<16xi32>
          %add3A_616 = arith.addi %get3A_496, %add3A_615 : vector<16xi32>
          tpu.vector_store_idx %arg12[%add3A_616], %get3A_613 {add = true} : memref<19200xf32, #tpu.memory_space<vmem>>[vector<16xi32>], vector<16xf32>,
          %get3A_617 = arith.constant 15 : i32
          %get3A_618 = arith.index_cast %get3A_617 : i32 to index
          %get3A_619 = arith.index_cast %scan3A_80 : i32 to index
          %get3A_620 = arith.index_cast %mul3A_493 : i32 to index
          %get3A_621 = tpu.vector_load %arg8[%get3A_618, %get3A_619, %get3A_620] {strides = array<i32>} : memref<16x8x384xf32, #tpu.memory_space<vmem>>, vector<16xf32>,
          %add3A_622 = arith.constant 18000 : i32
          %add3A_623 = vector.broadcast %add3A_622 : i32 to vector<16xi32>
          %add3A_624 = arith.addi %get3A_496, %add3A_623 : vector<16xi32>
          tpu.vector_store_idx %arg12[%add3A_624], %get3A_621 {add = true} : memref<19200xf32, #tpu.memory_space<vmem>>[vector<16xi32>], vector<16xf32>,
        }
        %scan3A_86 = arith.constant 24 : i32
      }
      %scan3A_76 = arith.constant 8 : i32
      %rem3A = arith.constant 16 : i32
      %rem3A_77 = arith.remsi %scan3A_68, %rem3A : i32
      %eq3A = arith.cmpi eq, %rem3A_77, %arg1 : i32
      %convert_element_type3A_78 = arith.extui %eq3A : i1 to i32
      %cond3A = arith.constant 0 : i32
      %cond3A_79 = arith.cmpi ne, %convert_element_type3A_78, %cond3A : i32
      scf.if %cond3A_79 {
        "tpu.region"() ({
          %run_scoped3A_86 = tpu.sem_alloc : memref<!tpu.dma_semaphore, #tpu.memory_space<semaphore_mem>>
          %dma_start3A = arith.constant 0 : i32
          %dma_start3A_87 = tpu.memref_slice %arg4[%arg0, %mul3A_70, %dma_start3A] : memref<2x384x384xf32, #tpu.memory_space<hbm>> -> memref<1x8x384xf32, #tpu.memory_space<hbm>>
          %dma_start3A_88 = tpu.memref_squeeze %dma_start3A_87 : memref<1x8x384xf32, #tpu.memory_space<hbm>> -> memref<8x384xf32, #tpu.memory_space<hbm>>
          %dma_start3A_89 = arith.constant 0 : i32
          %dma_start3A_90 = tpu.memref_slice %arg4[%arg0, %mul3A_70, %dma_start3A_89] : memref<2x384x384xf32, #tpu.memory_space<hbm>> -> memref<1x8x384xf32, #tpu.memory_space<hbm>>
          %dma_start3A_91 = tpu.memref_squeeze %dma_start3A_90 : memref<1x8x384xf32, #tpu.memory_space<hbm>> -> memref<8x384xf32, #tpu.memory_space<hbm>>
          tpu.enqueue_dma source(%dma_start3A_91 : memref<8x384xf32, #tpu.memory_space<hbm>>) target(%arg10 : memref<8x384xf32, #tpu.memory_space<vmem>>) target_semaphore(%run_scoped3A_86 : memref<!tpu.dma_semaphore, #tpu.memory_space<semaphore_mem>>)
          %dma_wait3A = arith.constant 0 : i32
          %dma_wait3A_92 = tpu.memref_slice %arg4[%arg0, %mul3A_70, %dma_wait3A] : memref<2x384x384xf32, #tpu.memory_space<hbm>> -> memref<1x8x384xf32, #tpu.memory_space<hbm>>
          %dma_wait3A_93 = tpu.memref_squeeze %dma_wait3A_92 : memref<1x8x384xf32, #tpu.memory_space<hbm>> -> memref<8x384xf32, #tpu.memory_space<hbm>>
          %dma_wait3A_94 = arith.constant 0 : i32
          %dma_wait3A_95 = tpu.memref_slice %arg4[%arg0, %mul3A_70, %dma_wait3A_94] : memref<2x384x384xf32, #tpu.memory_space<hbm>> -> memref<1x8x384xf32, #tpu.memory_space<hbm>>
          %dma_wait3A_96 = tpu.memref_squeeze %dma_wait3A_95 : memref<1x8x384xf32, #tpu.memory_space<hbm>> -> memref<8x384xf32, #tpu.memory_space<hbm>>
          tpu.wait_dma2 semaphore(%run_scoped3A_86 : memref<!tpu.dma_semaphore, #tpu.memory_space<semaphore_mem>>) src(%dma_wait3A_96 : memref<8x384xf32, #tpu.memory_space<hbm>>) dst(%arg10 : memref<8x384xf32, #tpu.memory_space<vmem>>)
          tpu.yield
        }) : () -> ()
        "tpu.region"() ({
          %run_scoped3A_86 = tpu.sem_alloc : memref<!tpu.dma_semaphore, #tpu.memory_space<semaphore_mem>>
          %dma_start3A = arith.constant 0 : i32
          %dma_start3A_87 = tpu.memref_slice %arg5[%arg0, %mul3A_70, %dma_start3A] : memref<2x384x384xf32, #tpu.memory_space<hbm>> -> memref<1x8x384xf32, #tpu.memory_space<hbm>>
          %dma_start3A_88 = tpu.memref_squeeze %dma_start3A_87 : memref<1x8x384xf32, #tpu.memory_space<hbm>> -> memref<8x384xf32, #tpu.memory_space<hbm>>
          %dma_start3A_89 = arith.constant 0 : i32
          %dma_start3A_90 = tpu.memref_slice %arg5[%arg0, %mul3A_70, %dma_start3A_89] : memref<2x384x384xf32, #tpu.memory_space<hbm>> -> memref<1x8x384xf32, #tpu.memory_space<hbm>>
          %dma_start3A_91 = tpu.memref_squeeze %dma_start3A_90 : memref<1x8x384xf32, #tpu.memory_space<hbm>> -> memref<8x384xf32, #tpu.memory_space<hbm>>
          tpu.enqueue_dma source(%dma_start3A_91 : memref<8x384xf32, #tpu.memory_space<hbm>>) target(%arg11 : memref<8x384xf32, #tpu.memory_space<vmem>>) target_semaphore(%run_scoped3A_86 : memref<!tpu.dma_semaphore, #tpu.memory_space<semaphore_mem>>)
          %dma_wait3A = arith.constant 0 : i32
          %dma_wait3A_92 = tpu.memref_slice %arg5[%arg0, %mul3A_70, %dma_wait3A] : memref<2x384x384xf32, #tpu.memory_space<hbm>> -> memref<1x8x384xf32, #tpu.memory_space<hbm>>
          %dma_wait3A_93 = tpu.memref_squeeze %dma_wait3A_92 : memref<1x8x384xf32, #tpu.memory_space<hbm>> -> memref<8x384xf32, #tpu.memory_space<hbm>>
          %dma_wait3A_94 = arith.constant 0 : i32
          %dma_wait3A_95 = tpu.memref_slice %arg5[%arg0, %mul3A_70, %dma_wait3A_94] : memref<2x384x384xf32, #tpu.memory_space<hbm>> -> memref<1x8x384xf32, #tpu.memory_space<hbm>>
          %dma_wait3A_96 = tpu.memref_squeeze %dma_wait3A_95 : memref<1x8x384xf32, #tpu.memory_space<hbm>> -> memref<8x384xf32, #tpu.memory_space<hbm>>
          tpu.wait_dma2 semaphore(%run_scoped3A_86 : memref<!tpu.dma_semaphore, #tpu.memory_space<semaphore_mem>>) src(%dma_wait3A_96 : memref<8x384xf32, #tpu.memory_space<hbm>>) dst(%arg11 : memref<8x384xf32, #tpu.memory_space<vmem>>)
          tpu.yield
        }) : () -> ()
        %scan3A_80 = arith.constant 0 : i32
        %scan3A_81 = arith.constant 0 : i32
        %scan3A_82 = arith.constant 8 : i32
        %scan3A_83 = arith.addi %scan3A_81, %scan3A_82 : i32
        %scan3A_84 = arith.constant 1 : i32
        scf.for %scan3A_86 = %scan3A_81 to %scan3A_83 step %scan3A_84  : i32 {
          %add3A_87 = arith.addi %mul3A_70, %scan3A_86 : i32
          %convert_element_type3A_88 = arith.sitofp %add3A_87 : i32 to f32
          %mul3A_89 = arith.constant 0.0026109661 : f32
          %mul3A_90 = arith.mulf %convert_element_type3A_88, %mul3A_89 : f32
          %broadcast_in_dim3A_91 = arith.constant 1.000000e+00 : f32
          %broadcast_in_dim3A_92 = vector.broadcast %broadcast_in_dim3A_91 : f32 to vector<16xf32>
          %mul3A_93 = vector.broadcast %mul3A_90 : f32 to vector<16xf32>
          %mul3A_94 = arith.mulf %broadcast_in_dim3A_92, %mul3A_93 : vector<16xf32>
          %scan3A_95 = arith.constant 0 : i32
          %scan3A_96 = arith.constant 0 : i32
          %scan3A_97 = arith.constant 24 : i32
          %scan3A_98 = arith.addi %scan3A_96, %scan3A_97 : i32
          %scan3A_99 = arith.constant 2 : i32
          scf.for %scan3A_101 = %scan3A_96 to %scan3A_98 step %scan3A_99  : i32 {
            %mul3A_102 = arith.constant 16 : i32
            %mul3A_103 = arith.muli %scan3A_101, %mul3A_102 : i32
            %get3A = arith.index_cast %scan3A_86 : i32 to index
            %get3A_104 = arith.index_cast %mul3A_103 : i32 to index
            %get3A_105 = tpu.vector_load %arg9[%get3A, %get3A_104] {strides = array<i32>} : memref<8x384xi32, #tpu.memory_space<vmem>>, vector<16xi32>,
            %convert_element_type3A_106 = arith.sitofp %mul3A_103 : i32 to f32
            %mul3A_107 = arith.constant 0.0026109661 : f32
            %mul3A_108 = arith.mulf %mul3A_107, %convert_element_type3A_106 : f32
            %add3A_109 = vector.broadcast %mul3A_108 : f32 to vector<16xf32>
            %add3A_110 = arith.addf %mul3A_8, %add3A_109 : vector<16xf32>
            tpu.vector_store_idx %arg13[%get3A_105], %mul3A_94 {add = true} : memref<6000xf32, #tpu.memory_space<vmem>>[vector<16xi32>], vector<16xf32>,
            %add3A_111 = arith.constant 1200 : i32
            %add3A_112 = vector.broadcast %add3A_111 : i32 to vector<16xi32>
            %add3A_113 = arith.addi %get3A_105, %add3A_112 : vector<16xi32>
            tpu.vector_store_idx %arg13[%add3A_113], %add3A_110 {add = true} : memref<6000xf32, #tpu.memory_space<vmem>>[vector<16xi32>], vector<16xf32>,
            %add3A_114 = arith.constant 2400 : i32
            %add3A_115 = vector.broadcast %add3A_114 : i32 to vector<16xi32>
            %add3A_116 = arith.addi %get3A_105, %add3A_115 : vector<16xi32>
            %get3A_117 = arith.index_cast %scan3A_86 : i32 to index
            %get3A_118 = arith.index_cast %mul3A_103 : i32 to index
            %get3A_119 = tpu.vector_load %arg10[%get3A_117, %get3A_118] {strides = array<i32>} : memref<8x384xf32, #tpu.memory_space<vmem>>, vector<16xf32>,
            tpu.vector_store_idx %arg13[%add3A_116], %get3A_119 {add = true} : memref<6000xf32, #tpu.memory_space<vmem>>[vector<16xi32>], vector<16xf32>,
            %add3A_120 = arith.constant 3600 : i32
            %add3A_121 = vector.broadcast %add3A_120 : i32 to vector<16xi32>
            %add3A_122 = arith.addi %get3A_105, %add3A_121 : vector<16xi32>
            %get3A_123 = arith.index_cast %scan3A_86 : i32 to index
            %get3A_124 = arith.index_cast %mul3A_103 : i32 to index
            %get3A_125 = tpu.vector_load %arg11[%get3A_123, %get3A_124] {strides = array<i32>} : memref<8x384xf32, #tpu.memory_space<vmem>>, vector<16xf32>,
            tpu.vector_store_idx %arg13[%add3A_122], %get3A_125 {add = true} : memref<6000xf32, #tpu.memory_space<vmem>>[vector<16xi32>], vector<16xf32>,
            %add3A_126 = arith.constant 4800 : i32
            %add3A_127 = vector.broadcast %add3A_126 : i32 to vector<16xi32>
            %add3A_128 = arith.addi %get3A_105, %add3A_127 : vector<16xi32>
            tpu.vector_store_idx %arg13[%add3A_128], %broadcast_in_dim3A_5 {add = true} : memref<6000xf32, #tpu.memory_space<vmem>>[vector<16xi32>], vector<16xf32>,
            %scan3A_129 = arith.constant 1 : i32
            %scan3A_130 = arith.addi %scan3A_101, %scan3A_129 : i32
            %mul3A_131 = arith.constant 16 : i32
            %mul3A_132 = arith.muli %scan3A_130, %mul3A_131 : i32
            %get3A_133 = arith.index_cast %scan3A_86 : i32 to index
            %get3A_134 = arith.index_cast %mul3A_132 : i32 to index
            %get3A_135 = tpu.vector_load %arg9[%get3A_133, %get3A_134] {strides = array<i32>} : memref<8x384xi32, #tpu.memory_space<vmem>>, vector<16xi32>,
            %convert_element_type3A_136 = arith.sitofp %mul3A_132 : i32 to f32
            %mul3A_137 = arith.constant 0.0026109661 : f32
            %mul3A_138 = arith.mulf %mul3A_137, %convert_element_type3A_136 : f32
            %add3A_139 = vector.broadcast %mul3A_138 : f32 to vector<16xf32>
            %add3A_140 = arith.addf %mul3A_8, %add3A_139 : vector<16xf32>
            tpu.vector_store_idx %arg13[%get3A_135], %mul3A_94 {add = true} : memref<6000xf32, #tpu.memory_space<vmem>>[vector<16xi32>], vector<16xf32>,
            %add3A_141 = arith.constant 1200 : i32
            %add3A_142 = vector.broadcast %add3A_141 : i32 to vector<16xi32>
            %add3A_143 = arith.addi %get3A_135, %add3A_142 : vector<16xi32>
            tpu.vector_store_idx %arg13[%add3A_143], %add3A_140 {add = true} : memref<6000xf32, #tpu.memory_space<vmem>>[vector<16xi32>], vector<16xf32>,
            %add3A_144 = arith.constant 2400 : i32
            %add3A_145 = vector.broadcast %add3A_144 : i32 to vector<16xi32>
            %add3A_146 = arith.addi %get3A_135, %add3A_145 : vector<16xi32>
            %get3A_147 = arith.index_cast %scan3A_86 : i32 to index
            %get3A_148 = arith.index_cast %mul3A_132 : i32 to index
            %get3A_149 = tpu.vector_load %arg10[%get3A_147, %get3A_148] {strides = array<i32>} : memref<8x384xf32, #tpu.memory_space<vmem>>, vector<16xf32>,
            tpu.vector_store_idx %arg13[%add3A_146], %get3A_149 {add = true} : memref<6000xf32, #tpu.memory_space<vmem>>[vector<16xi32>], vector<16xf32>,
            %add3A_150 = arith.constant 3600 : i32
            %add3A_151 = vector.broadcast %add3A_150 : i32 to vector<16xi32>
            %add3A_152 = arith.addi %get3A_135, %add3A_151 : vector<16xi32>
            %get3A_153 = arith.index_cast %scan3A_86 : i32 to index
            %get3A_154 = arith.index_cast %mul3A_132 : i32 to index
            %get3A_155 = tpu.vector_load %arg11[%get3A_153, %get3A_154] {strides = array<i32>} : memref<8x384xf32, #tpu.memory_space<vmem>>, vector<16xf32>,
            tpu.vector_store_idx %arg13[%add3A_152], %get3A_155 {add = true} : memref<6000xf32, #tpu.memory_space<vmem>>[vector<16xi32>], vector<16xf32>,
            %add3A_156 = arith.constant 4800 : i32
            %add3A_157 = vector.broadcast %add3A_156 : i32 to vector<16xi32>
            %add3A_158 = arith.addi %get3A_135, %add3A_157 : vector<16xi32>
            tpu.vector_store_idx %arg13[%add3A_158], %broadcast_in_dim3A_5 {add = true} : memref<6000xf32, #tpu.memory_space<vmem>>[vector<16xi32>], vector<16xf32>,
          }
          %scan3A_100 = arith.constant 24 : i32
        }
        %scan3A_85 = arith.constant 8 : i32
      } else {
      }
    }
    %scan3A_66 = arith.constant 48 : i32
    %run_scoped3A = arith.constant 0 : i32
    "tpu.region"() ({
      %run_scoped3A_68 = tpu.sem_alloc : memref<!tpu.dma_semaphore, #tpu.memory_space<semaphore_mem>>
      %dma_start3A = arith.constant 0 : i32
      %dma_start3A_69 = tpu.memref_slice %arg6[%add3A, %run_scoped3A, %dma_start3A] : memref<32x1x19200xf32, #tpu.memory_space<hbm>> -> memref<1x1x19200xf32, #tpu.memory_space<hbm>>
      %dma_start3A_70 = tpu.memref_squeeze %dma_start3A_69 : memref<1x1x19200xf32, #tpu.memory_space<hbm>> -> memref<19200xf32, #tpu.memory_space<hbm>>
      %dma_start3A_71 = arith.constant 0 : i32
      %dma_start3A_72 = tpu.memref_slice %arg6[%add3A, %run_scoped3A, %dma_start3A_71] : memref<32x1x19200xf32, #tpu.memory_space<hbm>> -> memref<1x1x19200xf32, #tpu.memory_space<hbm>>
      %dma_start3A_73 = tpu.memref_squeeze %dma_start3A_72 : memref<1x1x19200xf32, #tpu.memory_space<hbm>> -> memref<19200xf32, #tpu.memory_space<hbm>>
      tpu.enqueue_dma source(%arg12 : memref<19200xf32, #tpu.memory_space<vmem>>) target(%dma_start3A_73 : memref<19200xf32, #tpu.memory_space<hbm>>) target_semaphore(%run_scoped3A_68 : memref<!tpu.dma_semaphore, #tpu.memory_space<semaphore_mem>>)
      %dma_wait3A = arith.constant 0 : i32
      %dma_wait3A_74 = tpu.memref_slice %arg6[%add3A, %run_scoped3A, %dma_wait3A] : memref<32x1x19200xf32, #tpu.memory_space<hbm>> -> memref<1x1x19200xf32, #tpu.memory_space<hbm>>
      %dma_wait3A_75 = tpu.memref_squeeze %dma_wait3A_74 : memref<1x1x19200xf32, #tpu.memory_space<hbm>> -> memref<19200xf32, #tpu.memory_space<hbm>>
      %dma_wait3A_76 = arith.constant 0 : i32
      %dma_wait3A_77 = tpu.memref_slice %arg6[%add3A, %run_scoped3A, %dma_wait3A_76] : memref<32x1x19200xf32, #tpu.memory_space<hbm>> -> memref<1x1x19200xf32, #tpu.memory_space<hbm>>
      %dma_wait3A_78 = tpu.memref_squeeze %dma_wait3A_77 : memref<1x1x19200xf32, #tpu.memory_space<hbm>> -> memref<19200xf32, #tpu.memory_space<hbm>>
      tpu.wait_dma2 semaphore(%run_scoped3A_68 : memref<!tpu.dma_semaphore, #tpu.memory_space<semaphore_mem>>) src(%arg12 : memref<19200xf32, #tpu.memory_space<vmem>>) dst(%dma_wait3A_78 : memref<19200xf32, #tpu.memory_space<hbm>>)
      tpu.yield
    }) : () -> ()
    %run_scoped3A_67 = arith.constant 0 : i32
    "tpu.region"() ({
      %run_scoped3A_68 = tpu.sem_alloc : memref<!tpu.dma_semaphore, #tpu.memory_space<semaphore_mem>>
      %dma_start3A = arith.constant 0 : i32
      %dma_start3A_69 = tpu.memref_slice %arg7[%add3A, %run_scoped3A_67, %dma_start3A] : memref<32x1x6000xf32, #tpu.memory_space<hbm>> -> memref<1x1x6000xf32, #tpu.memory_space<hbm>>
      %dma_start3A_70 = tpu.memref_squeeze %dma_start3A_69 : memref<1x1x6000xf32, #tpu.memory_space<hbm>> -> memref<6000xf32, #tpu.memory_space<hbm>>
      %dma_start3A_71 = arith.constant 0 : i32
      %dma_start3A_72 = tpu.memref_slice %arg7[%add3A, %run_scoped3A_67, %dma_start3A_71] : memref<32x1x6000xf32, #tpu.memory_space<hbm>> -> memref<1x1x6000xf32, #tpu.memory_space<hbm>>
      %dma_start3A_73 = tpu.memref_squeeze %dma_start3A_72 : memref<1x1x6000xf32, #tpu.memory_space<hbm>> -> memref<6000xf32, #tpu.memory_space<hbm>>
      tpu.enqueue_dma source(%arg13 : memref<6000xf32, #tpu.memory_space<vmem>>) target(%dma_start3A_73 : memref<6000xf32, #tpu.memory_space<hbm>>) target_semaphore(%run_scoped3A_68 : memref<!tpu.dma_semaphore, #tpu.memory_space<semaphore_mem>>)
      %dma_wait3A = arith.constant 0 : i32
      %dma_wait3A_74 = tpu.memref_slice %arg7[%add3A, %run_scoped3A_67, %dma_wait3A] : memref<32x1x6000xf32, #tpu.memory_space<hbm>> -> memref<1x1x6000xf32, #tpu.memory_space<hbm>>
      %dma_wait3A_75 = tpu.memref_squeeze %dma_wait3A_74 : memref<1x1x6000xf32, #tpu.memory_space<hbm>> -> memref<6000xf32, #tpu.memory_space<hbm>>
      %dma_wait3A_76 = arith.constant 0 : i32
      %dma_wait3A_77 = tpu.memref_slice %arg7[%add3A, %run_scoped3A_67, %dma_wait3A_76] : memref<32x1x6000xf32, #tpu.memory_space<hbm>> -> memref<1x1x6000xf32, #tpu.memory_space<hbm>>
      %dma_wait3A_78 = tpu.memref_squeeze %dma_wait3A_77 : memref<1x1x6000xf32, #tpu.memory_space<hbm>> -> memref<6000xf32, #tpu.memory_space<hbm>>
      tpu.wait_dma2 semaphore(%run_scoped3A_68 : memref<!tpu.dma_semaphore, #tpu.memory_space<semaphore_mem>>) src(%arg13 : memref<6000xf32, #tpu.memory_space<vmem>>) dst(%dma_wait3A_78 : memref<6000xf32, #tpu.memory_space<hbm>>)
      tpu.yield
    }) : () -> ()
    return
  }
}

module attributes {stable_mosaic.version = 14 : i64} {
  func.func @_dense_body(%arg0: memref<2x256x1200xf32, #tpu.memory_space<vmem>>, %arg1: memref<16x5x2400xf32, #tpu.memory_space<vmem>>, %arg2: memref<4xf32, #tpu.memory_space<vmem>>, %arg3: memref<4xf32, #tpu.memory_space<vmem>>, %arg4: memref<32x4xf32, #tpu.memory_space<vmem>>, %arg5: memref<32xf32, #tpu.memory_space<vmem>>, %arg6: memref<64x32xf32, #tpu.memory_space<vmem>>, %arg7: memref<64xf32, #tpu.memory_space<vmem>>, %arg8: memref<256xf32, #tpu.memory_space<vmem>>, %arg9: memref<256xf32, #tpu.memory_space<vmem>>, %arg10: memref<512x256xf32, #tpu.memory_space<vmem>>, %arg11: memref<512xf32, #tpu.memory_space<vmem>>, %arg12: memref<512xf32, #tpu.memory_space<vmem>>, %arg13: memref<512xf32, #tpu.memory_space<vmem>>, %arg14: memref<256x64xf32, #tpu.memory_space<vmem>>, %arg15: memref<256x512xf32, #tpu.memory_space<vmem>>, %arg16: memref<256xf32, #tpu.memory_space<vmem>>, %arg17: memref<2400x256xf32, #tpu.memory_space<vmem>>, %arg18: memref<2400x2xf32, #tpu.memory_space<vmem>>) attributes {dimension_semantics = [], scalar_prefetch = 0 : i64, scratch_operands = 0 : i64, tpu.core_type = #tpu.core_type<tc>} {
    %get3A = arith.constant 0 : index
    %get3A_0 = arith.constant 0 : index
    %get3A_1 = arith.constant 0 : index
    %get3A_2 = vector.load %arg1[%get3A, %get3A_0, %get3A_1] : memref<16x5x2400xf32, #tpu.memory_space<vmem>>, vector<16x5x2400xf32>
    %reduce_sum3A = arith.constant dense<0.000000e+00> : vector<5x2400xf32>
    %reduce_sum3A_3 = vector.multi_reduction <add>, %get3A_2, %reduce_sum3A [0] : vector<16x5x2400xf32> to vector<5x2400xf32>
    %slice3A = vector.extract_strided_slice %reduce_sum3A_3 {offsets = [0, 0], sizes = [1, 2400], strides = [1, 1]} : vector<5x2400xf32> to vector<1x2400xf32>
    %squeeze3A = vector.shape_cast %slice3A : vector<1x2400xf32> to vector<2400xf32>
    %slice3A_4 = vector.extract_strided_slice %reduce_sum3A_3 {offsets = [1, 0], sizes = [1, 2400], strides = [1, 1]} : vector<5x2400xf32> to vector<1x2400xf32>
    %squeeze3A_5 = vector.shape_cast %slice3A_4 : vector<1x2400xf32> to vector<2400xf32>
    %slice3A_6 = vector.extract_strided_slice %reduce_sum3A_3 {offsets = [2, 0], sizes = [1, 2400], strides = [1, 1]} : vector<5x2400xf32> to vector<1x2400xf32>
    %squeeze3A_7 = vector.shape_cast %slice3A_6 : vector<1x2400xf32> to vector<2400xf32>
    %slice3A_8 = vector.extract_strided_slice %reduce_sum3A_3 {offsets = [3, 0], sizes = [1, 2400], strides = [1, 1]} : vector<5x2400xf32> to vector<1x2400xf32>
    %squeeze3A_9 = vector.shape_cast %slice3A_8 : vector<1x2400xf32> to vector<2400xf32>
    %slice3A_10 = vector.extract_strided_slice %reduce_sum3A_3 {offsets = [4, 0], sizes = [1, 2400], strides = [1, 1]} : vector<5x2400xf32> to vector<1x2400xf32>
    %squeeze3A_11 = vector.shape_cast %slice3A_10 : vector<1x2400xf32> to vector<2400xf32>
    %max3A = arith.constant 1.000000e+00 : f32
    %max3A_12 = vector.broadcast %max3A : f32 to vector<2400xf32>
    %max3A_13 = arith.maximumf %squeeze3A_11, %max3A_12 : vector<2400xf32>
    %div3A = arith.divf %squeeze3A, %max3A_13 : vector<2400xf32>
    %div3A_14 = arith.divf %squeeze3A_5, %max3A_13 : vector<2400xf32>
    %div3A_15 = arith.divf %squeeze3A_7, %max3A_13 : vector<2400xf32>
    %div3A_16 = arith.divf %squeeze3A_9, %max3A_13 : vector<2400xf32>
    %get3A_17 = arith.constant 0 : index
    %get3A_18 = arith.constant 0 : index
    %get3A_19 = arith.constant 0 : index
    %get3A_20 = vector.load %arg0[%get3A_17, %get3A_18, %get3A_19] : memref<2x256x1200xf32, #tpu.memory_space<vmem>>, vector<2x256x1200xf32>
    %slice3A_21 = vector.extract_strided_slice %get3A_20 {offsets = [0, 0, 0], sizes = [1, 256, 1200], strides = [1, 1, 1]} : vector<2x256x1200xf32> to vector<1x256x1200xf32>
    %squeeze3A_22 = vector.shape_cast %slice3A_21 : vector<1x256x1200xf32> to vector<256x1200xf32>
    %slice3A_23 = vector.extract_strided_slice %get3A_20 {offsets = [1, 0, 0], sizes = [1, 256, 1200], strides = [1, 1, 1]} : vector<2x256x1200xf32> to vector<1x256x1200xf32>
    %squeeze3A_24 = vector.shape_cast %slice3A_23 : vector<1x256x1200xf32> to vector<256x1200xf32>
    %concatenate3A = tpu.concatenate %squeeze3A_22, %squeeze3A_24 in 1 : vector<256x1200xf32>, vector<256x1200xf32> -> vector<256x2400xf32>
    %broadcast_in_dim3A = vector.shape_cast %max3A_13 : vector<2400xf32> to vector<1x2400xf32>
    %div3A_25 = vector.broadcast %broadcast_in_dim3A : vector<1x2400xf32> to vector<256x2400xf32>
    %div3A_26 = arith.divf %concatenate3A, %div3A_25 : vector<256x2400xf32>
    %get3A_27 = arith.constant 0 : index
    %get3A_28 = vector.load %arg2[%get3A_27] : memref<4xf32, #tpu.memory_space<vmem>>, vector<4xf32>
    %get3A_29 = arith.constant 0 : index
    %get3A_30 = vector.load %arg3[%get3A_29] : memref<4xf32, #tpu.memory_space<vmem>>, vector<4xf32>
    %slice3A_31 = vector.extract_strided_slice %get3A_28 {offsets = [0], sizes = [1], strides = [1]} : vector<4xf32> to vector<1xf32>
    %squeeze3A_32 = vector.extract %slice3A_31[0] : f32 from vector<1xf32>
    %slice3A_33 = vector.extract_strided_slice %get3A_30 {offsets = [0], sizes = [1], strides = [1]} : vector<4xf32> to vector<1xf32>
    %squeeze3A_34 = vector.extract %slice3A_33[0] : f32 from vector<1xf32>
    %reduce_sum3A_35 = vector.shape_cast %div3A : vector<2400xf32> to vector<1x2400xf32>
    %reduce_sum3A_36 = arith.constant dense<0.000000e+00> : vector<1xf32>
    %reduce_sum3A_37 = vector.multi_reduction <add>, %reduce_sum3A_35, %reduce_sum3A_36 [1] : vector<1x2400xf32> to vector<1xf32>
    %reduce_sum3A_38 = vector.shape_cast %reduce_sum3A_37 : vector<1xf32> to vector<1x1xf32>
    %reduce_sum3A_39 = vector.extract %reduce_sum3A_38[0, 0] : f32 from vector<1x1xf32>
    %div3A_40 = arith.constant 2.400000e+03 : f32
    %div3A_41 = arith.divf %reduce_sum3A_39, %div3A_40 : f32
    %sub3A = vector.broadcast %div3A_41 : f32 to vector<2400xf32>
    %sub3A_42 = arith.subf %div3A, %sub3A : vector<2400xf32>
    %integer_pow3A = arith.mulf %sub3A_42, %sub3A_42 : vector<2400xf32>
    %reduce_sum3A_43 = vector.shape_cast %integer_pow3A : vector<2400xf32> to vector<1x2400xf32>
    %reduce_sum3A_44 = arith.constant dense<0.000000e+00> : vector<1xf32>
    %reduce_sum3A_45 = vector.multi_reduction <add>, %reduce_sum3A_43, %reduce_sum3A_44 [1] : vector<1x2400xf32> to vector<1xf32>
    %reduce_sum3A_46 = vector.shape_cast %reduce_sum3A_45 : vector<1xf32> to vector<1x1xf32>
    %reduce_sum3A_47 = vector.extract %reduce_sum3A_46[0, 0] : f32 from vector<1x1xf32>
    %div3A_48 = arith.constant 2.400000e+03 : f32
    %div3A_49 = arith.divf %reduce_sum3A_47, %div3A_48 : f32
    %sub3A_50 = vector.broadcast %div3A_41 : f32 to vector<2400xf32>
    %sub3A_51 = arith.subf %div3A, %sub3A_50 : vector<2400xf32>
    %add3A = arith.constant 9.99999974E-6 : f32
    %add3A_52 = arith.addf %div3A_49, %add3A : f32
    %sqrt3A = math.sqrt %add3A_52 : f32
    %div3A_53 = vector.broadcast %sqrt3A : f32 to vector<2400xf32>
    %div3A_54 = arith.divf %sub3A_51, %div3A_53 : vector<2400xf32>
    %mul3A = vector.broadcast %squeeze3A_32 : f32 to vector<2400xf32>
    %mul3A_55 = arith.mulf %div3A_54, %mul3A : vector<2400xf32>
    %add3A_56 = vector.broadcast %squeeze3A_34 : f32 to vector<2400xf32>
    %add3A_57 = arith.addf %mul3A_55, %add3A_56 : vector<2400xf32>
    %slice3A_58 = vector.extract_strided_slice %get3A_28 {offsets = [1], sizes = [1], strides = [1]} : vector<4xf32> to vector<1xf32>
    %squeeze3A_59 = vector.extract %slice3A_58[0] : f32 from vector<1xf32>
    %slice3A_60 = vector.extract_strided_slice %get3A_30 {offsets = [1], sizes = [1], strides = [1]} : vector<4xf32> to vector<1xf32>
    %squeeze3A_61 = vector.extract %slice3A_60[0] : f32 from vector<1xf32>
    %reduce_sum3A_62 = vector.shape_cast %div3A_14 : vector<2400xf32> to vector<1x2400xf32>
    %reduce_sum3A_63 = arith.constant dense<0.000000e+00> : vector<1xf32>
    %reduce_sum3A_64 = vector.multi_reduction <add>, %reduce_sum3A_62, %reduce_sum3A_63 [1] : vector<1x2400xf32> to vector<1xf32>
    %reduce_sum3A_65 = vector.shape_cast %reduce_sum3A_64 : vector<1xf32> to vector<1x1xf32>
    %reduce_sum3A_66 = vector.extract %reduce_sum3A_65[0, 0] : f32 from vector<1x1xf32>
    %div3A_67 = arith.constant 2.400000e+03 : f32
    %div3A_68 = arith.divf %reduce_sum3A_66, %div3A_67 : f32
    %sub3A_69 = vector.broadcast %div3A_68 : f32 to vector<2400xf32>
    %sub3A_70 = arith.subf %div3A_14, %sub3A_69 : vector<2400xf32>
    %integer_pow3A_71 = arith.mulf %sub3A_70, %sub3A_70 : vector<2400xf32>
    %reduce_sum3A_72 = vector.shape_cast %integer_pow3A_71 : vector<2400xf32> to vector<1x2400xf32>
    %reduce_sum3A_73 = arith.constant dense<0.000000e+00> : vector<1xf32>
    %reduce_sum3A_74 = vector.multi_reduction <add>, %reduce_sum3A_72, %reduce_sum3A_73 [1] : vector<1x2400xf32> to vector<1xf32>
    %reduce_sum3A_75 = vector.shape_cast %reduce_sum3A_74 : vector<1xf32> to vector<1x1xf32>
    %reduce_sum3A_76 = vector.extract %reduce_sum3A_75[0, 0] : f32 from vector<1x1xf32>
    %div3A_77 = arith.constant 2.400000e+03 : f32
    %div3A_78 = arith.divf %reduce_sum3A_76, %div3A_77 : f32
    %sub3A_79 = vector.broadcast %div3A_68 : f32 to vector<2400xf32>
    %sub3A_80 = arith.subf %div3A_14, %sub3A_79 : vector<2400xf32>
    %add3A_81 = arith.constant 9.99999974E-6 : f32
    %add3A_82 = arith.addf %div3A_78, %add3A_81 : f32
    %sqrt3A_83 = math.sqrt %add3A_82 : f32
    %div3A_84 = vector.broadcast %sqrt3A_83 : f32 to vector<2400xf32>
    %div3A_85 = arith.divf %sub3A_80, %div3A_84 : vector<2400xf32>
    %mul3A_86 = vector.broadcast %squeeze3A_59 : f32 to vector<2400xf32>
    %mul3A_87 = arith.mulf %div3A_85, %mul3A_86 : vector<2400xf32>
    %add3A_88 = vector.broadcast %squeeze3A_61 : f32 to vector<2400xf32>
    %add3A_89 = arith.addf %mul3A_87, %add3A_88 : vector<2400xf32>
    %slice3A_90 = vector.extract_strided_slice %get3A_28 {offsets = [2], sizes = [1], strides = [1]} : vector<4xf32> to vector<1xf32>
    %squeeze3A_91 = vector.extract %slice3A_90[0] : f32 from vector<1xf32>
    %slice3A_92 = vector.extract_strided_slice %get3A_30 {offsets = [2], sizes = [1], strides = [1]} : vector<4xf32> to vector<1xf32>
    %squeeze3A_93 = vector.extract %slice3A_92[0] : f32 from vector<1xf32>
    %reduce_sum3A_94 = vector.shape_cast %div3A_15 : vector<2400xf32> to vector<1x2400xf32>
    %reduce_sum3A_95 = arith.constant dense<0.000000e+00> : vector<1xf32>
    %reduce_sum3A_96 = vector.multi_reduction <add>, %reduce_sum3A_94, %reduce_sum3A_95 [1] : vector<1x2400xf32> to vector<1xf32>
    %reduce_sum3A_97 = vector.shape_cast %reduce_sum3A_96 : vector<1xf32> to vector<1x1xf32>
    %reduce_sum3A_98 = vector.extract %reduce_sum3A_97[0, 0] : f32 from vector<1x1xf32>
    %div3A_99 = arith.constant 2.400000e+03 : f32
    %div3A_100 = arith.divf %reduce_sum3A_98, %div3A_99 : f32
    %sub3A_101 = vector.broadcast %div3A_100 : f32 to vector<2400xf32>
    %sub3A_102 = arith.subf %div3A_15, %sub3A_101 : vector<2400xf32>
    %integer_pow3A_103 = arith.mulf %sub3A_102, %sub3A_102 : vector<2400xf32>
    %reduce_sum3A_104 = vector.shape_cast %integer_pow3A_103 : vector<2400xf32> to vector<1x2400xf32>
    %reduce_sum3A_105 = arith.constant dense<0.000000e+00> : vector<1xf32>
    %reduce_sum3A_106 = vector.multi_reduction <add>, %reduce_sum3A_104, %reduce_sum3A_105 [1] : vector<1x2400xf32> to vector<1xf32>
    %reduce_sum3A_107 = vector.shape_cast %reduce_sum3A_106 : vector<1xf32> to vector<1x1xf32>
    %reduce_sum3A_108 = vector.extract %reduce_sum3A_107[0, 0] : f32 from vector<1x1xf32>
    %div3A_109 = arith.constant 2.400000e+03 : f32
    %div3A_110 = arith.divf %reduce_sum3A_108, %div3A_109 : f32
    %sub3A_111 = vector.broadcast %div3A_100 : f32 to vector<2400xf32>
    %sub3A_112 = arith.subf %div3A_15, %sub3A_111 : vector<2400xf32>
    %add3A_113 = arith.constant 9.99999974E-6 : f32
    %add3A_114 = arith.addf %div3A_110, %add3A_113 : f32
    %sqrt3A_115 = math.sqrt %add3A_114 : f32
    %div3A_116 = vector.broadcast %sqrt3A_115 : f32 to vector<2400xf32>
    %div3A_117 = arith.divf %sub3A_112, %div3A_116 : vector<2400xf32>
    %mul3A_118 = vector.broadcast %squeeze3A_91 : f32 to vector<2400xf32>
    %mul3A_119 = arith.mulf %div3A_117, %mul3A_118 : vector<2400xf32>
    %add3A_120 = vector.broadcast %squeeze3A_93 : f32 to vector<2400xf32>
    %add3A_121 = arith.addf %mul3A_119, %add3A_120 : vector<2400xf32>
    %slice3A_122 = vector.extract_strided_slice %get3A_28 {offsets = [3], sizes = [1], strides = [1]} : vector<4xf32> to vector<1xf32>
    %squeeze3A_123 = vector.extract %slice3A_122[0] : f32 from vector<1xf32>
    %slice3A_124 = vector.extract_strided_slice %get3A_30 {offsets = [3], sizes = [1], strides = [1]} : vector<4xf32> to vector<1xf32>
    %squeeze3A_125 = vector.extract %slice3A_124[0] : f32 from vector<1xf32>
    %reduce_sum3A_126 = vector.shape_cast %div3A_16 : vector<2400xf32> to vector<1x2400xf32>
    %reduce_sum3A_127 = arith.constant dense<0.000000e+00> : vector<1xf32>
    %reduce_sum3A_128 = vector.multi_reduction <add>, %reduce_sum3A_126, %reduce_sum3A_127 [1] : vector<1x2400xf32> to vector<1xf32>
    %reduce_sum3A_129 = vector.shape_cast %reduce_sum3A_128 : vector<1xf32> to vector<1x1xf32>
    %reduce_sum3A_130 = vector.extract %reduce_sum3A_129[0, 0] : f32 from vector<1x1xf32>
    %div3A_131 = arith.constant 2.400000e+03 : f32
    %div3A_132 = arith.divf %reduce_sum3A_130, %div3A_131 : f32
    %sub3A_133 = vector.broadcast %div3A_132 : f32 to vector<2400xf32>
    %sub3A_134 = arith.subf %div3A_16, %sub3A_133 : vector<2400xf32>
    %integer_pow3A_135 = arith.mulf %sub3A_134, %sub3A_134 : vector<2400xf32>
    %reduce_sum3A_136 = vector.shape_cast %integer_pow3A_135 : vector<2400xf32> to vector<1x2400xf32>
    %reduce_sum3A_137 = arith.constant dense<0.000000e+00> : vector<1xf32>
    %reduce_sum3A_138 = vector.multi_reduction <add>, %reduce_sum3A_136, %reduce_sum3A_137 [1] : vector<1x2400xf32> to vector<1xf32>
    %reduce_sum3A_139 = vector.shape_cast %reduce_sum3A_138 : vector<1xf32> to vector<1x1xf32>
    %reduce_sum3A_140 = vector.extract %reduce_sum3A_139[0, 0] : f32 from vector<1x1xf32>
    %div3A_141 = arith.constant 2.400000e+03 : f32
    %div3A_142 = arith.divf %reduce_sum3A_140, %div3A_141 : f32
    %sub3A_143 = vector.broadcast %div3A_132 : f32 to vector<2400xf32>
    %sub3A_144 = arith.subf %div3A_16, %sub3A_143 : vector<2400xf32>
    %add3A_145 = arith.constant 9.99999974E-6 : f32
    %add3A_146 = arith.addf %div3A_142, %add3A_145 : f32
    %sqrt3A_147 = math.sqrt %add3A_146 : f32
    %div3A_148 = vector.broadcast %sqrt3A_147 : f32 to vector<2400xf32>
    %div3A_149 = arith.divf %sub3A_144, %div3A_148 : vector<2400xf32>
    %mul3A_150 = vector.broadcast %squeeze3A_123 : f32 to vector<2400xf32>
    %mul3A_151 = arith.mulf %div3A_149, %mul3A_150 : vector<2400xf32>
    %add3A_152 = vector.broadcast %squeeze3A_125 : f32 to vector<2400xf32>
    %add3A_153 = arith.addf %mul3A_151, %add3A_152 : vector<2400xf32>
    %get3A_154 = arith.constant 0 : index
    %get3A_155 = arith.constant 0 : index
    %get3A_156 = vector.load %arg4[%get3A_154, %get3A_155] : memref<32x4xf32, #tpu.memory_space<vmem>>, vector<32x4xf32>
    %slice3A_157 = vector.extract_strided_slice %get3A_156 {offsets = [0, 0], sizes = [32, 1], strides = [1, 1]} : vector<32x4xf32> to vector<32x1xf32>
    %squeeze3A_158 = vector.shape_cast %slice3A_157 : vector<32x1xf32> to vector<32xf32>
    %broadcast_in_dim3A_159 = vector.shape_cast %squeeze3A_158 : vector<32xf32> to vector<32x1xf32>
    %broadcast_in_dim3A_160 = vector.shape_cast %add3A_57 : vector<2400xf32> to vector<1x2400xf32>
    %mul3A_161 = vector.broadcast %broadcast_in_dim3A_159 : vector<32x1xf32> to vector<32x2400xf32>
    %mul3A_162 = vector.broadcast %broadcast_in_dim3A_160 : vector<1x2400xf32> to vector<32x2400xf32>
    %mul3A_163 = arith.mulf %mul3A_161, %mul3A_162 : vector<32x2400xf32>
    %slice3A_164 = vector.extract_strided_slice %get3A_156 {offsets = [0, 1], sizes = [32, 1], strides = [1, 1]} : vector<32x4xf32> to vector<32x1xf32>
    %squeeze3A_165 = vector.shape_cast %slice3A_164 : vector<32x1xf32> to vector<32xf32>
    %broadcast_in_dim3A_166 = vector.shape_cast %squeeze3A_165 : vector<32xf32> to vector<32x1xf32>
    %broadcast_in_dim3A_167 = vector.shape_cast %add3A_89 : vector<2400xf32> to vector<1x2400xf32>
    %mul3A_168 = vector.broadcast %broadcast_in_dim3A_166 : vector<32x1xf32> to vector<32x2400xf32>
    %mul3A_169 = vector.broadcast %broadcast_in_dim3A_167 : vector<1x2400xf32> to vector<32x2400xf32>
    %mul3A_170 = arith.mulf %mul3A_168, %mul3A_169 : vector<32x2400xf32>
    %add3A_171 = arith.addf %mul3A_163, %mul3A_170 : vector<32x2400xf32>
    %slice3A_172 = vector.extract_strided_slice %get3A_156 {offsets = [0, 2], sizes = [32, 1], strides = [1, 1]} : vector<32x4xf32> to vector<32x1xf32>
    %squeeze3A_173 = vector.shape_cast %slice3A_172 : vector<32x1xf32> to vector<32xf32>
    %broadcast_in_dim3A_174 = vector.shape_cast %squeeze3A_173 : vector<32xf32> to vector<32x1xf32>
    %broadcast_in_dim3A_175 = vector.shape_cast %add3A_121 : vector<2400xf32> to vector<1x2400xf32>
    %mul3A_176 = vector.broadcast %broadcast_in_dim3A_174 : vector<32x1xf32> to vector<32x2400xf32>
    %mul3A_177 = vector.broadcast %broadcast_in_dim3A_175 : vector<1x2400xf32> to vector<32x2400xf32>
    %mul3A_178 = arith.mulf %mul3A_176, %mul3A_177 : vector<32x2400xf32>
    %add3A_179 = arith.addf %add3A_171, %mul3A_178 : vector<32x2400xf32>
    %slice3A_180 = vector.extract_strided_slice %get3A_156 {offsets = [0, 3], sizes = [32, 1], strides = [1, 1]} : vector<32x4xf32> to vector<32x1xf32>
    %squeeze3A_181 = vector.shape_cast %slice3A_180 : vector<32x1xf32> to vector<32xf32>
    %broadcast_in_dim3A_182 = vector.shape_cast %squeeze3A_181 : vector<32xf32> to vector<32x1xf32>
    %broadcast_in_dim3A_183 = vector.shape_cast %add3A_153 : vector<2400xf32> to vector<1x2400xf32>
    %mul3A_184 = vector.broadcast %broadcast_in_dim3A_182 : vector<32x1xf32> to vector<32x2400xf32>
    %mul3A_185 = vector.broadcast %broadcast_in_dim3A_183 : vector<1x2400xf32> to vector<32x2400xf32>
    %mul3A_186 = arith.mulf %mul3A_184, %mul3A_185 : vector<32x2400xf32>
    %add3A_187 = arith.addf %add3A_179, %mul3A_186 : vector<32x2400xf32>
    %get3A_188 = arith.constant 0 : index
    %get3A_189 = vector.load %arg5[%get3A_188] : memref<32xf32, #tpu.memory_space<vmem>>, vector<32xf32>
    %broadcast_in_dim3A_190 = vector.shape_cast %get3A_189 : vector<32xf32> to vector<32x1xf32>
    %add3A_191 = vector.broadcast %broadcast_in_dim3A_190 : vector<32x1xf32> to vector<32x2400xf32>
    %add3A_192 = arith.addf %add3A_187, %add3A_191 : vector<32x2400xf32>
    %get3A_193 = arith.constant 0 : index
    %get3A_194 = arith.constant 0 : index
    %get3A_195 = vector.load %arg6[%get3A_193, %get3A_194] : memref<64x32xf32, #tpu.memory_space<vmem>>, vector<64x32xf32>
    %dot_general3A = arith.constant dense<0.000000e+00> : vector<64x2400xf32>
    %dot_general3A_196 = tpu.matmul %get3A_195, %add3A_192, %dot_general3A {dimension_numbers = #tpu.dot_dimension_numbers<[1], [0], [0], [1], [0, 0, 1, 1], [], []>, transpose_lhs_hint = false} : vector<64x32xf32>, vector<32x2400xf32>, vector<64x2400xf32> -> vector<64x2400xf32>
    %get3A_197 = arith.constant 0 : index
    %get3A_198 = vector.load %arg7[%get3A_197] : memref<64xf32, #tpu.memory_space<vmem>>, vector<64xf32>
    %broadcast_in_dim3A_199 = vector.shape_cast %get3A_198 : vector<64xf32> to vector<64x1xf32>
    %add3A_200 = vector.broadcast %broadcast_in_dim3A_199 : vector<64x1xf32> to vector<64x2400xf32>
    %add3A_201 = arith.addf %dot_general3A_196, %add3A_200 : vector<64x2400xf32>
    %max3A_202 = arith.constant 0.000000e+00 : f32
    %max3A_203 = vector.broadcast %max3A_202 : f32 to vector<64x2400xf32>
    %max3A_204 = arith.maximumf %add3A_201, %max3A_203 : vector<64x2400xf32>
    %reduce_sum3A_205 = arith.constant dense<0.000000e+00> : vector<256xf32>
    %reduce_sum3A_206 = vector.multi_reduction <add>, %div3A_26, %reduce_sum3A_205 [1] : vector<256x2400xf32> to vector<256xf32>
    %div3A_207 = arith.constant 2.400000e+03 : f32
    %div3A_208 = vector.broadcast %div3A_207 : f32 to vector<256xf32>
    %div3A_209 = arith.divf %reduce_sum3A_206, %div3A_208 : vector<256xf32>
    %broadcast_in_dim3A_210 = vector.shape_cast %div3A_209 : vector<256xf32> to vector<256x1xf32>
    %sub3A_211 = vector.broadcast %broadcast_in_dim3A_210 : vector<256x1xf32> to vector<256x2400xf32>
    %sub3A_212 = arith.subf %div3A_26, %sub3A_211 : vector<256x2400xf32>
    %integer_pow3A_213 = arith.mulf %sub3A_212, %sub3A_212 : vector<256x2400xf32>
    %reduce_sum3A_214 = arith.constant dense<0.000000e+00> : vector<256xf32>
    %reduce_sum3A_215 = vector.multi_reduction <add>, %integer_pow3A_213, %reduce_sum3A_214 [1] : vector<256x2400xf32> to vector<256xf32>
    %div3A_216 = arith.constant 2.400000e+03 : f32
    %div3A_217 = vector.broadcast %div3A_216 : f32 to vector<256xf32>
    %div3A_218 = arith.divf %reduce_sum3A_215, %div3A_217 : vector<256xf32>
    %broadcast_in_dim3A_219 = vector.shape_cast %div3A_218 : vector<256xf32> to vector<256x1xf32>
    %sub3A_220 = vector.broadcast %broadcast_in_dim3A_210 : vector<256x1xf32> to vector<256x2400xf32>
    %sub3A_221 = arith.subf %div3A_26, %sub3A_220 : vector<256x2400xf32>
    %add3A_222 = arith.constant 9.99999974E-6 : f32
    %add3A_223 = vector.broadcast %add3A_222 : f32 to vector<256x1xf32>
    %add3A_224 = arith.addf %broadcast_in_dim3A_219, %add3A_223 : vector<256x1xf32>
    %sqrt3A_225 = math.sqrt %add3A_224 : vector<256x1xf32>
    %div3A_226 = vector.broadcast %sqrt3A_225 : vector<256x1xf32> to vector<256x2400xf32>
    %div3A_227 = arith.divf %sub3A_221, %div3A_226 : vector<256x2400xf32>
    %get3A_228 = arith.constant 0 : index
    %get3A_229 = vector.load %arg8[%get3A_228] : memref<256xf32, #tpu.memory_space<vmem>>, vector<256xf32>
    %broadcast_in_dim3A_230 = vector.shape_cast %get3A_229 : vector<256xf32> to vector<256x1xf32>
    %mul3A_231 = vector.broadcast %broadcast_in_dim3A_230 : vector<256x1xf32> to vector<256x2400xf32>
    %mul3A_232 = arith.mulf %div3A_227, %mul3A_231 : vector<256x2400xf32>
    %get3A_233 = arith.constant 0 : index
    %get3A_234 = vector.load %arg9[%get3A_233] : memref<256xf32, #tpu.memory_space<vmem>>, vector<256xf32>
    %broadcast_in_dim3A_235 = vector.shape_cast %get3A_234 : vector<256xf32> to vector<256x1xf32>
    %add3A_236 = vector.broadcast %broadcast_in_dim3A_235 : vector<256x1xf32> to vector<256x2400xf32>
    %add3A_237 = arith.addf %mul3A_232, %add3A_236 : vector<256x2400xf32>
    %get3A_238 = arith.constant 0 : index
    %get3A_239 = arith.constant 0 : index
    %get3A_240 = vector.load %arg10[%get3A_238, %get3A_239] : memref<512x256xf32, #tpu.memory_space<vmem>>, vector<512x256xf32>
    %dot_general3A_241 = arith.constant dense<0.000000e+00> : vector<512x2400xf32>
    %dot_general3A_242 = tpu.matmul %get3A_240, %add3A_237, %dot_general3A_241 {dimension_numbers = #tpu.dot_dimension_numbers<[1], [0], [0], [1], [0, 0, 1, 1], [], []>, transpose_lhs_hint = false} : vector<512x256xf32>, vector<256x2400xf32>, vector<512x2400xf32> -> vector<512x2400xf32>
    %get3A_243 = arith.constant 0 : index
    %get3A_244 = vector.load %arg11[%get3A_243] : memref<512xf32, #tpu.memory_space<vmem>>, vector<512xf32>
    %broadcast_in_dim3A_245 = vector.shape_cast %get3A_244 : vector<512xf32> to vector<512x1xf32>
    %add3A_246 = vector.broadcast %broadcast_in_dim3A_245 : vector<512x1xf32> to vector<512x2400xf32>
    %add3A_247 = arith.addf %dot_general3A_242, %add3A_246 : vector<512x2400xf32>
    %reduce_sum3A_248 = arith.constant dense<0.000000e+00> : vector<512xf32>
    %reduce_sum3A_249 = vector.multi_reduction <add>, %add3A_247, %reduce_sum3A_248 [1] : vector<512x2400xf32> to vector<512xf32>
    %div3A_250 = arith.constant 2.400000e+03 : f32
    %div3A_251 = vector.broadcast %div3A_250 : f32 to vector<512xf32>
    %div3A_252 = arith.divf %reduce_sum3A_249, %div3A_251 : vector<512xf32>
    %broadcast_in_dim3A_253 = vector.shape_cast %div3A_252 : vector<512xf32> to vector<512x1xf32>
    %sub3A_254 = vector.broadcast %broadcast_in_dim3A_253 : vector<512x1xf32> to vector<512x2400xf32>
    %sub3A_255 = arith.subf %add3A_247, %sub3A_254 : vector<512x2400xf32>
    %integer_pow3A_256 = arith.mulf %sub3A_255, %sub3A_255 : vector<512x2400xf32>
    %reduce_sum3A_257 = arith.constant dense<0.000000e+00> : vector<512xf32>
    %reduce_sum3A_258 = vector.multi_reduction <add>, %integer_pow3A_256, %reduce_sum3A_257 [1] : vector<512x2400xf32> to vector<512xf32>
    %div3A_259 = arith.constant 2.400000e+03 : f32
    %div3A_260 = vector.broadcast %div3A_259 : f32 to vector<512xf32>
    %div3A_261 = arith.divf %reduce_sum3A_258, %div3A_260 : vector<512xf32>
    %broadcast_in_dim3A_262 = vector.shape_cast %div3A_261 : vector<512xf32> to vector<512x1xf32>
    %sub3A_263 = vector.broadcast %broadcast_in_dim3A_253 : vector<512x1xf32> to vector<512x2400xf32>
    %sub3A_264 = arith.subf %add3A_247, %sub3A_263 : vector<512x2400xf32>
    %add3A_265 = arith.constant 9.99999974E-6 : f32
    %add3A_266 = vector.broadcast %add3A_265 : f32 to vector<512x1xf32>
    %add3A_267 = arith.addf %broadcast_in_dim3A_262, %add3A_266 : vector<512x1xf32>
    %sqrt3A_268 = math.sqrt %add3A_267 : vector<512x1xf32>
    %div3A_269 = vector.broadcast %sqrt3A_268 : vector<512x1xf32> to vector<512x2400xf32>
    %div3A_270 = arith.divf %sub3A_264, %div3A_269 : vector<512x2400xf32>
    %get3A_271 = arith.constant 0 : index
    %get3A_272 = vector.load %arg12[%get3A_271] : memref<512xf32, #tpu.memory_space<vmem>>, vector<512xf32>
    %broadcast_in_dim3A_273 = vector.shape_cast %get3A_272 : vector<512xf32> to vector<512x1xf32>
    %mul3A_274 = vector.broadcast %broadcast_in_dim3A_273 : vector<512x1xf32> to vector<512x2400xf32>
    %mul3A_275 = arith.mulf %div3A_270, %mul3A_274 : vector<512x2400xf32>
    %get3A_276 = arith.constant 0 : index
    %get3A_277 = vector.load %arg13[%get3A_276] : memref<512xf32, #tpu.memory_space<vmem>>, vector<512xf32>
    %broadcast_in_dim3A_278 = vector.shape_cast %get3A_277 : vector<512xf32> to vector<512x1xf32>
    %add3A_279 = vector.broadcast %broadcast_in_dim3A_278 : vector<512x1xf32> to vector<512x2400xf32>
    %add3A_280 = arith.addf %mul3A_275, %add3A_279 : vector<512x2400xf32>
    %max3A_281 = arith.constant 0.000000e+00 : f32
    %max3A_282 = vector.broadcast %max3A_281 : f32 to vector<512x2400xf32>
    %max3A_283 = arith.maximumf %add3A_280, %max3A_282 : vector<512x2400xf32>
    %get3A_284 = arith.constant 0 : index
    %get3A_285 = arith.constant 0 : index
    %get3A_286 = vector.load %arg14[%get3A_284, %get3A_285] : memref<256x64xf32, #tpu.memory_space<vmem>>, vector<256x64xf32>
    %dot_general3A_287 = arith.constant dense<0.000000e+00> : vector<256x2400xf32>
    %dot_general3A_288 = tpu.matmul %get3A_286, %max3A_204, %dot_general3A_287 {dimension_numbers = #tpu.dot_dimension_numbers<[1], [0], [0], [1], [0, 0, 1, 1], [], []>, transpose_lhs_hint = false} : vector<256x64xf32>, vector<64x2400xf32>, vector<256x2400xf32> -> vector<256x2400xf32>
    %get3A_289 = arith.constant 0 : index
    %get3A_290 = arith.constant 0 : index
    %get3A_291 = vector.load %arg15[%get3A_289, %get3A_290] : memref<256x512xf32, #tpu.memory_space<vmem>>, vector<256x512xf32>
    %dot_general3A_292 = arith.constant dense<0.000000e+00> : vector<256x2400xf32>
    %dot_general3A_293 = tpu.matmul %get3A_291, %max3A_283, %dot_general3A_292 {dimension_numbers = #tpu.dot_dimension_numbers<[1], [0], [0], [1], [0, 0, 1, 1], [], []>, transpose_lhs_hint = false} : vector<256x512xf32>, vector<512x2400xf32>, vector<256x2400xf32> -> vector<256x2400xf32>
    %add3A_294 = arith.addf %dot_general3A_288, %dot_general3A_293 : vector<256x2400xf32>
    %get3A_295 = arith.constant 0 : index
    %get3A_296 = vector.load %arg16[%get3A_295] : memref<256xf32, #tpu.memory_space<vmem>>, vector<256xf32>
    %broadcast_in_dim3A_297 = vector.shape_cast %get3A_296 : vector<256xf32> to vector<256x1xf32>
    %add3A_298 = vector.broadcast %broadcast_in_dim3A_297 : vector<256x1xf32> to vector<256x2400xf32>
    %add3A_299 = arith.addf %add3A_294, %add3A_298 : vector<256x2400xf32>
    %transpose3A = tpu.transpose %add3A_299, [1, 0] : vector<256x2400xf32> -> vector<2400x256xf32>
    %swap3A = arith.constant 0 : index
    %swap3A_300 = arith.constant 0 : index
    %swap3A_301 = vector.load %arg17[%swap3A, %swap3A_300] : memref<2400x256xf32, #tpu.memory_space<vmem>>, vector<2400x256xf32>
    tpu.vector_store %arg17[%swap3A, %swap3A_300], %transpose3A {strides = array<i32>} : memref<2400x256xf32, #tpu.memory_space<vmem>>, vector<2400x256xf32>,
    %broadcast_in_dim3A_302 = vector.shape_cast %div3A : vector<2400xf32> to vector<2400x1xf32>
    %broadcast_in_dim3A_303 = vector.shape_cast %div3A_14 : vector<2400xf32> to vector<2400x1xf32>
    %concatenate3A_304 = tpu.concatenate %broadcast_in_dim3A_302, %broadcast_in_dim3A_303 in 1 : vector<2400x1xf32>, vector<2400x1xf32> -> vector<2400x2xf32>
    %swap3A_305 = arith.constant 0 : index
    %swap3A_306 = arith.constant 0 : index
    %swap3A_307 = vector.load %arg18[%swap3A_305, %swap3A_306] : memref<2400x2xf32, #tpu.memory_space<vmem>>, vector<2400x2xf32>
    tpu.vector_store %arg18[%swap3A_305, %swap3A_306], %concatenate3A_304 {strides = array<i32>} : memref<2400x2xf32, #tpu.memory_space<vmem>>, vector<2400x2xf32>,
    return
  }
}

</mosaic_0001>

<sc_bundles>
// kernel: kernel.4.cloned.1.call-start
scs
__scs_entry_jumppad:
0x0: {  	(pc) =	sbr.rel $0x88, $3  }
0x1: {  	(tag) =	ssettag $0x0;
	lr =	simm.s32 $0x1  }
0x2: {  	[smem:$0x3F8F] =	sst lr;
	_ =	strace $0xD0000000  }
0x3: {  	_ = 	snop  }
0x4: {  	_ = 	snop  }
0x5: {  	_ = 	snop  }
0x6: {  	_ = 	snop  }
0x7: {  	_ = 	snop  }
__scs_overlays_trampoline_lowered:
0x8: {  	[smem:$0x3F9E] =	sst s0  }
0x9: {  	[smem:$0x3F9F] =	sst s1  }
0xa: {  	[smem:$0x3FA0] =	sst s2  }
0xb: {  	[smem:$0x3FA1] =	sst s3  }
0xc: {  	[smem:$0x3FA2] =	sst s4  }
0xd: {  	[smem:$0x3FA3] =	sst s5  }
0xe: {  	[smem:$0x3FA4] =	sst s6  }
0xf: {  	[smem:$0x3FA5] =	sst s7  }
0x10: {  	[smem:$0x3FA6] =	sst s8  }
0x11: {  	[smem:$0x3FA7] =	sst s9;
	s0 =	simm.s32 @!p0 $0x0  }
0x12: {  	s1 =	sld [smem:$0x3F8D];
	s0 =	simm.s32 @p0 $0x1  }
0x13: {  	[smem:$0x3FA8] =	sst s0;
	s0 =	simm.s32 @!p1 $0x0  }
0x14: {  	s2 =	sld [smem:$0x3F8C];
	s0 =	simm.s32 @p1 $0x1  }
0x15: {  	[smem:$0x3FA9] =	sst s0;
	s0 =	simm.s32 @!p2 $0x0  }
0x16: {  	s3 =	sld [smem:$0x3FDB];
	s0 =	simm.s32 @p2 $0x1  }
0x17: {  	s4 =	simm.s32 $0x1BF5;
	[smem:$0x3FAB] =	sst s0  }
0x18: {  	s0 =	sld [smem:$0x3F8E];
	_ =	swait.ge [sflag:s4], $0x0  }
0x19: {  	s7 =	sld [smem:$0x3F8F]  }
0x1a: {  	s8 =	sadd.s32 $0xFFFFE003, lr  }
0x1b: {  	s9 =	sadd.s32 $0xFFFFFEF7, lr;
	s5 =	simm.s32 $0xFFFFFFFF;
	p2 =	slt.u32 s8, $0xFFFFF086  }
0x1c: {  	p1 =	slt.u32 s9, $0xF7A;
	s5 =	simm.s32 @!p2 $0x0  }
0x1d: {  	s5 =	simm.s32 @p1 $0x1;
	p0 =	seq.s32 s7, s2  }
0x1e: {  	s7 =	smul.u32 @!p0 $0xF7A, s2;
	p2 =	seq.s32 @!p0 s5, $0x0  }
0x1f: {  	s9 =	smul.u32 $0xF7A, s1;
	s8 =	simm.s32 @!p0 $0x1BF5;
	p2 =	por !p2, p0  }
0x20: {  	[sflag:s8] =	ssyncset.s32 @!p0 $0xFFFFF086;
	s6 =	sadd.s32 @!p0 s3, s7;
	s7 =	simm.s32 @!p0 $0x108  }
0x21: {  	s3 =	sadd.s32 s3, s9;
	s6 =	sadd.s32 @!p0 $0x88, s6;
	s7 =	simm.s32 @p2 $0x1082  }
0x22: {  	[simem:s7], [sflag:s8] =	dma.local @!p0 [hbm:s6], $0xF7A  }
0x23: {  	s9 =	sor.u32 $0xD0000000, s2;
	s6 =	simm.s32 $0x108;
	_ =	swait.ge @!p0 [sflag:s8], $0x0  }
0x24: {  	s3 =	sadd.s32 $0x88, s3;
	s6 =	simm.s32 @!p1 $0x1082;
	[sflag:s4] =	ssyncset.s32 $0xFFFFF086  }
0x25: {  	[simem:s6], [sflag:s4] =	dma.local [hbm:s3], $0xF7A  }
0x26: {  	[smem:$0x3F8F] =	sst s1;
	(tag) =	ssettag s2;
	_ =	strace s9  }
0x27: {  	s1 =	sld [smem:$0x3F9F]  }
0x28: {  	s2 =	sld [smem:$0x3FA0]  }
0x29: {  	s4 =	sld [smem:$0x3FA2]  }
0x2a: {  	p0 =	seq.s32 s5, $0x0;
	s5 =	sld [smem:$0x3FA3]  }
0x2b: {  	s6 =	sld [smem:$0x3FA4]  }
0x2c: {  	s7 =	sld [smem:$0x3FA5]  }
0x2d: {  	s3 =	simm.s32 $0x108;
	s8 =	sld [smem:$0x3FA6]  }
0x2e: {  	s3 =	simm.s32 @!p0 $0x1082;
	s9 =	sld [smem:$0x3FA7]  }
0x2f: {  	lr =	sadd.s32 s0, s3;
	s0 =	sld [smem:$0x3F9E]  }
0x30: {  	s3 =	sld [smem:$0x3FA1]  }
0x31: {  	[smem:$0x3FAA] =	sst s10  }
0x32: {  	s10 =	sld [smem:$0x3FA8];
	_ =	sdelay $0x3  }
0x33: {  	p0 =	seq.s32 s10, $0x1;
	s10 =	sld [smem:$0x3FAA];
	_ =	sdelay $0x3  }
0x34: {  	[smem:$0x3FAA] =	sst s10  }
0x35: {  	s10 =	sld [smem:$0x3FA9];
	_ =	sdelay $0x3  }
0x36: {  	p1 =	seq.s32 s10, $0x1;
	s10 =	sld [smem:$0x3FAA];
	_ =	sdelay $0x3  }
0x37: {  	[smem:$0x3FAA] =	sst s10  }
0x38: {  	s10 =	sld [smem:$0x3FAB]  }
0x39: {  	_ = 	snop;
	(pc) =	sbr.ind lr, $3  }
0x3a: {  	_ = 	snop  }
0x3b: {  	_ = 	snop  }
0x3c: {  	p2 =	seq.s32 s10, $0x1;
	s10 =	sld [smem:$0x3FAA]  }
0x3d: {  	_ =	shalt  }
0x3e: {  	_ =	shalt  }
0x3f: {  	_ =	shalt  }
0x40: {  	_ =	shalt  }
0x41: {  	_ =	shalt  }
0x42: {  	_ =	shalt  }
0x43: {  	_ =	shalt  }
0x44: {  	_ =	shalt  }
0x45: {  	_ =	shalt  }
0x46: {  	_ =	shalt  }
0x47: {  	_ =	shalt  }
0x48: {  	_ =	shalt  }
0x49: {  	_ =	shalt  }
0x4a: {  	_ =	shalt  }
0x4b: {  	_ =	shalt  }
0x4c: {  	_ =	shalt  }
0x4d: {  	_ =	shalt  }
0x4e: {  	_ =	shalt  }
0x4f: {  	_ =	shalt  }
0x50: {  	_ =	shalt  }
0x51: {  	_ =	shalt  }
0x52: {  	_ =	shalt  }
0x53: {  	_ =	shalt  }
0x54: {  	_ =	shalt  }
0x55: {  	_ =	shalt  }
0x56: {  	_ =	shalt  }
0x57: {  	_ =	shalt  }
0x58: {  	_ =	shalt  }
0x59: {  	_ =	shalt  }
0x5a: {  	_ =	shalt  }
0x5b: {  	_ =	shalt  }
0x5c: {  	_ =	shalt  }
0x5d: {  	_ =	shalt  }
0x5e: {  	_ =	shalt  }
0x5f: {  	_ =	shalt  }
0x60: {  	_ =	shalt  }
0x61: {  	_ =	shalt  }
0x62: {  	_ =	shalt  }
0x63: {  	_ =	shalt  }
0x64: {  	_ =	shalt  }
0x65: {  	_ =	shalt  }
0x66: {  	_ =	shalt  }
0x67: {  	_ =	shalt  }
0x68: {  	_ =	shalt  }
0x69: {  	_ =	shalt  }
0x6a: {  	_ =	shalt  }
0x6b: {  	_ =	shalt  }
0x6c: {  	_ =	shalt  }
0x6d: {  	_ =	shalt  }
0x6e: {  	_ =	shalt  }
0x6f: {  	_ =	shalt  }
0x70: {  	_ =	shalt  }
0x71: {  	_ =	shalt  }
0x72: {  	_ =	shalt  }
0x73: {  	_ =	shalt  }
0x74: {  	_ =	shalt  }
0x75: {  	_ =	shalt  }
0x76: {  	_ =	shalt  }
0x77: {  	_ =	shalt  }
0x78: {  	_ =	shalt  }
0x79: {  	_ =	shalt  }
0x7a: {  	_ =	shalt  }
0x7b: {  	_ =	shalt  }
0x7c: {  	_ =	shalt  }
0x7d: {  	_ =	shalt  }
0x7e: {  	_ =	shalt  }
0x7f: {  	_ =	shalt  }
0x80: {  	_ =	shalt  }
0x81: {  	_ =	shalt  }
0x82: {  	_ =	shalt  }
0x83: {  	_ =	shalt  }
0x84: {  	_ =	shalt  }
0x85: {  	_ =	shalt  }
0x86: {  	_ =	shalt  }
0x87: {  	_ =	shalt  }
.Lfunc_end0:
.L_simem_size_0:
called_computation_lowered:
.L_overlay_start_0:
0x88: {  	s2 =	sld [smem:$0x3FD9]  }
0x89: {  	s3 =	sld [smem:$0x3FFE];
	_ =	sdelay $0x1  }
0x8a: {  	s1 =	srdreg.scid  }
0x8b: {  	s0 =	sand.u32 $0x1, s1  }
0x8c: {  	s14 =	sshll.u32 s0, $0xA;
	s2 =	sadd.s32 s3, s2  }
0x8d: {  	s2 =	sadd.s32 s2, s14  }
0x8e: {  	[smem:$0x3FB6] =	sst s2  }
0x8f: {  	_ = 	snop  }
0x90: {  	s2 =	sld [smem:$0x3FC9]  }
0x91: {  	s15 =	sld [smem:$0x3FD0]  }
0x92: {  	s4 =	sld [smem:$0x3FC8]  }
0x93: {  	s5 =	sld [smem:$0x3FC7]  }
0x94: {  	s7 =	simm.s32 $0xA;
	s8 =	simm.s32 $0x10;
	s6 =	sld [smem:$0x3FC6]  }
0x95: {  	[smem:s8], [sflag:s7] =	dma.local [hbm:s15], $0x1  }
0x96: {  	_ =	swait.eq [sflag:s7], $0x1  }
0x97: {  	[sflag:s7] =	ssyncset.done $0x0  }
0x98: {  	[sflag:s7] =	ssyncadd.s32 $0xFFFFFFFF  }
0x99: {  	s16 =	sld [smem:$0x10];
	(tm) =	ssettm $0x1  }
0x9a: {  	s17 =	sld [smem:$0x3FFB];
	_ =	sdelay $0x3  }
0x9b: {  	_ =	strace s17  }
0x9c: {  	s7 =	sld [smem:$0x3FFC];
	_ =	sdelay $0x3  }
0x9d: {  	_ =	strace s7  }
0x9e: {  	s7 =	sld [smem:$0x3FFD];
	_ =	sdelay $0x3  }
0x9f: {  	_ =	strace s7  }
0xa0: {  	_ =	strace $0x8FFFFFFF  }
0xa1: {  	s18 =	sld [smem:$0x3FDB];
	_ =	sdelay $0x1  }
0xa2: {  	s19 =	simm.s32 $_scs_section_size  }
0xa3: {  	s9 =	simm.s32 $_size__tile_overlayer_lowered;
	s10 =	simm.s32 $_tile_overlayer_lowered  }
0xa4: {  	s22 =	simm.s32 $0x1BFF;
	s21 =	sshll.u32 s10, $0x1;
	s7 =	sadd.s32 s19, s18  }
0xa5: {  	s11 =	simm.s32 $0x0;
	s20 =	sshll.u32 s9, $0x1;
	s9 =	sadd.s32 s21, s7  }
0xa6: {  	[timem:s11], [sflag:s22] =	dma.local [hbm:s9], s20  }
0xa7: {  	_ =	swait.ge [sflag:s22], s20  }
0xa8: {  	s8 =	ssub.s32 $0x0, s20;
	[sflag:s22] =	ssyncset.done $0x0  }
0xa9: {  	[sflag:s22] =	ssyncadd.s32 s8;
	_ =	sdelay $0x1  }
0xaa: {  	s23 =	simm.s32 $0x1B8B  }
0xab: {  	_ =	swait.ge [sflag:s23], $0x1  }
0xac: {  	[sflag:s23] =	ssyncset.done $0x0  }
0xad: {  	s25 =	simm.s32 $0x1B8E;
	s24 =	sld [smem:$0x3FFE];
	[sflag:s23] =	ssyncadd.s32 $0xFFFFFFFF  }
0xae: {  	s26 =	simm.s32 $execute0_lowered;
	[smem:$0x3FD2] =	sst s25  }
0xaf: {  	s9 =	sshll.u32 s26, $0x1;
	_ =	strace $0x80000046;
	[dreg:$0x1] =	wrdreg $0xFFFFFFFF  }
0xb0: {  	s28 =	simm.s32 $_size_execute0_lowered;
	s7 =	sadd.s32 s7, s9;
	[dreg:$0x0] =	wrdreg $0x0  }
0xb1: {  	s9 =	sshll.u32 s28, $0x1;
	[dreg:$0x2] =	wrdreg s7  }
0xb2: {  	[dreg:$0x3] =	wrdreg s9  }
0xb3: {  	[dreg:$0x4] =	wrdreg $0xC0  }
0xb4: {  	_ =	task [dreg:s11], $0x5FFFF  }
0xb5: {  	[dreg:$0x1] =	wrdreg $0xFFFFFFFF  }
0xb6: {  	[dreg:$0x0] =	wrdreg $0x60  }
0xb7: {  	[dreg:$0x2] =	wrdreg s5  }
0xb8: {  	[dreg:$0x3] =	wrdreg s6  }
0xb9: {  	[dreg:$0x4] =	wrdreg s2  }
0xba: {  	[dreg:$0x5] =	wrdreg s4  }
0xbb: {  	[dreg:$0x6] =	wrdreg s16  }
0xbc: {  	[dreg:$0x7] =	wrdreg s24  }
0xbd: {  	[dreg:$0x8] =	wrdreg $0x9  }
0xbe: {  	_ =	task.clear_ibuf [dreg:s11], $0x9FFFF;
	_ =	strace $0x90000046  }
0xbf: {  	s29 =	simm.s32 $0x9;
	_ =	strace $0x80000048  }
0xc0: {  	_ =	swait.ge [sflag:s29], $0x1  }
0xc1: {  	[sflag:s29] =	ssyncadd.s32 $0xFFFFFFFF  }
0xc2: {  	_ =	strace $0x90000048  }
0xc3: {  	_ =	sfence  }
0xc4: {  	s30 =	sld [smem:$0x0];
	_ =	sdelay $0x2  }
0xc5: {  	s31 =	sshll.u32 s1, $0xD;
	s1 =	sshrl.u32 s1, $0x2  }
0xc6: {  	s3 =	sand.u32 $0x4000, s31;
	s1 =	sadd.s32 s1, s30  }
0xc7: {  	s0 =	sor.u32 s3, s0;
	s1 =	sshll.u32 s1, $0x11  }
0xc8: {  	s0 =	sor.u32 s1, s0  }
0xc9: {  	s0 =	sadd.s32 $0x8F2B, s0  }
0xca: {  	[sflag:s0] =	ssyncadd.remote.s32 $0x1  }
0xcb: {  	_ =	sfence.sel $0xFFFF  }
0xcc: {  	[dreg:$0x0] =	wrdreg $0xFFFFFFFF;
	(pc) =	sbr.abs _section_cstart, $3  }
0xcd: {  	[dreg:$0x1] =	wrdreg $0xFFFFFFFF  }
0xce: {  	_ =	task.clear_ibuf [dreg:s11], $0x2FFFF;
	_ =	strace $0x9FFFFFFF  }
0xcf: {  	(tm) =	ssettm $0x7FFFFFFF  }
tec
execute0_lowered:
.L_overlay_start_1:
0x0: {  	(tag) =	ssettag $0x1  }
0x1: {  	v0 =	vimm.f32 $3.916449100e-02;
	vm0 =	vcmask $0x300  }
0x2: {  	vm14 =	vcmask $0x704;
	v0 =	vsel vm0, $0x0, v0  }
0x3: {  	vm15 =	vcmask $0xB08;
	v0 =	vsel vm14, $0x3B2B1CBE, v0  }
0x4: {  	vm4 =	vcmask $0xF0C;
	v0 =	vsel vm15, $0x3BAB1CBE, v0  }
0x5: {  	s0 =	rddreg [dreg:$0x4];
	vm5 =	vcmask $0x1310;
	v0 =	vsel vm4, $0x3C00558E, v0  }
0x6: {  	s1 =	rddreg [dreg:$0x5];
	s2 =	srdreg.scid;
	vm6 =	vcmask $0x1714;
	v0 =	vsel vm5, $0x3C2B1CBE, v0  }
0x7: {  	s3 =	simm.s32 $0x0;
	s7 =	stileid.u32;
	vm7 =	vcmask $0x1B18;
	s2 =	sand.u32 $0x1, s2;
	v0 =	vsel vm6, $0x3C55E3EE, v0  }
0x8: {  	vm8 =	vcmask $0x1F1C;
	s15 =	simm.s32 $0x1;
	s28 =	sshll.u32 s2, $0x4;
	s5 =	smul.u32 $0x2400000, s2;
	v0 =	vsel vm7, $0x3C80558E, v0  }
0x9: {  	vm9 =	vcmask $0x2320;
	[smem:$0x7FF] =	sst s3;
	s3 =	sor.u32 s7, s28;
	s7 =	smul.u32 $0x240000, s7;
	v0 =	vsel vm8, $0x3C95B926, v0  }
0xa: {  	vm10 =	vcmask $0x2724;
	s16 =	simm.s32 $0xE400;
	s19 =	simm.s32 $0x12F00;
	s4 =	smul.u32 $0x2F0, s3;
	v0 =	vsel vm9, $0x3CAB1CBE, v0  }
0xb: {  	vm11 =	vcmask $0x2B28;
	_ =	strace $0x80000047;
	s6 =	ssub.s32 $0x2, s2;
	s3 =	smul.u32 $0x960, s3;
	v0 =	vsel vm10, $0x3CC08056, v0  }
.Ltmp0:
0xc: {  	vm12 =	vcmask $0x2F2C;
	s29 =	sshrl.u32 s6, $0x1;
	s5 =	sadd.s32 s7, s5;
	v0 =	vsel vm11, $0x3CD5E3EE, v0;
	(pc) =	sbr.rel .LBB2_1-.Ltmp0, $4  }
0xd: {  	vm13 =	vcmask $0x3330;
	s1 =	sadd.s32 s4, s1;
	[dreg:$0x16] =	wrdreg s5;
	s0 =	sadd.s32 s0, s3;
	v0 =	vsel vm12, $0x3CEB4785, v0  }
0xe: {  	vm14 =	vcmask $0x3734;
	s4 =	ssub.s32 s6, s29;
	[dreg:$0x17] =	wrdreg s0;
	s30 =	sadd.s32 $0x2400, s1;
	v0 =	vsel vm13, $0x3D00558E, v0  }
0xf: {  	s21 =	simm.s32 $0x0;
	vm15 =	vcmask $0x3B38;
	s31 =	smax.u32 s4, $0x1;
	[dreg:$0x18] =	wrdreg s30;
	v1 =	vsel vm14, $0x3D0B075A, v0  }
0x10: {  	v2 =	vimm.f32 $1.000000000e+00;
	s8 =	smul.u32 $0x24000, s2;
	s1 =	simm.s32 $0x0;
	[dreg:$0x19] =	wrdreg s31;
	v0 =	vimm.f32 $0.0e+00;
	v1 =	vsel vm15, $0x3D15B926, v1  }
.LBB2_16:
0x11: {  	s0 =	simm.s32 $0x0;
	s1 =	rddreg [dreg:$0x17]  }
0x12: {  	[hbm4b:s1+s0] =	stream.linear.scatter [tilespmem:s16], [sflag:$0x1], $0x4B00, $0x38;
	[tilespmem:$0x14680] =	vst v63  }
0x13: {  	_ =	swait.ge [sflag:s15], $0x4B00  }
0x14: {  	[sflag:s15] =	ssyncset.done $0x0  }
0x15: {  	s29 =	rddreg [dreg:$0x18];
	[sflag:s15] =	ssyncadd.s32 $0xFFFFB500  }
0x16: {  	[hbm4b:s29+s0] =	stream.linear.scatter [tilespmem:s19], [sflag:$0x1], $0x1780, $0x38;
	[tilespmem:$0x14680] =	vst v63  }
0x17: {  	_ =	swait.ge [sflag:s15], $0x1780  }
0x18: {  	s30 =	rddreg [dreg:$0x1a]  }
0x19: {  	s31 =	rddreg [dreg:$0x19];
	s1 =	sadd.s32 $0x1, s30  }
0x1a: {  	p0 =	sne.s32 s1, s31  }
.Ltmp1:
0x1b: {  	_ = 	snop;
	(pc) =	sbr.rel @!p0 .LBB2_17-.Ltmp1, $3  }
0x1c: {  	_ =	sdelay $0x1  }
0x1d: {  	[sflag:s15] =	ssyncset.done $0x0  }
0x1e: {  	[sflag:s15] =	ssyncadd.s32 $0xFFFFE880  }
.LBB2_1:
0x1f: {  	[dreg:$0x1a] =	wrdreg s1;
	s1 =	simm.s32 $0xE440  }
0x20: {  	[tilespmem:s1+$0xFFFFFFC0] =	vst v0  }
0x21: {  	[tilespmem:s1+$0x30] =	vst v0  }
0x22: {  	[tilespmem:s1+$0x20] =	vst v0  }
0x23: {  	[tilespmem:s1+$0x10] =	vst v0  }
0x24: {  	[tilespmem:s1+$0x0] =	vst v0  }
0x25: {  	[tilespmem:s1+$0xFFFFFFF0] =	vst v0  }
0x26: {  	s2 =	simm.s32 $0x0;
	[tilespmem:s1+$0xFFFFFFE0] =	vst v0  }
.LBB2_2:
0x27: {  	s2 =	sadd.s32 $0x8, s2;
	[tilespmem:s1+$0xFFFFFFD0] =	vst v0;
	s1 =	sadd.s32 $0x80, s1;
	s0 =	simm.s32 $0x12F40  }
0x28: {  	[tilespmem:s1+$0xFFFFFFC0] =	vst v0;
	p0 =	slt.u32 s2, $0x4A8  }
0x29: {  	[tilespmem:s1+$0x30] =	vst v0  }
.Ltmp2:
0x2a: {  	[tilespmem:s1+$0x20] =	vst v0;
	(pc) =	sbr.rel @p0 .LBB2_2-.Ltmp2, $4  }
0x2b: {  	[tilespmem:s1+$0x10] =	vst v0  }
0x2c: {  	[tilespmem:s1+$0x0] =	vst v0  }
0x2d: {  	[tilespmem:s1+$0xFFFFFFF0] =	vst v0  }
0x2e: {  	[tilespmem:s1+$0xFFFFFFE0] =	vst v0  }
0x2f: {  	[tilespmem:s1+$0xFFFFFFD0] =	vst v0  }
0x30: {  	[tilespmem:s0+$0xFFFFFFC0] =	vst v0  }
0x31: {  	[tilespmem:s0+$0x30] =	vst v0  }
0x32: {  	[tilespmem:s0+$0x20] =	vst v0  }
0x33: {  	[tilespmem:s0+$0x10] =	vst v0  }
0x34: {  	[tilespmem:s0+$0x0] =	vst v0  }
0x35: {  	[tilespmem:s0+$0xFFFFFFF0] =	vst v0  }
0x36: {  	s1 =	simm.s32 $0x0;
	[tilespmem:s0+$0xFFFFFFE0] =	vst v0  }
.LBB2_4:
0x37: {  	s1 =	sadd.s32 $0x8, s1;
	[tilespmem:s0+$0xFFFFFFD0] =	vst v0;
	s0 =	sadd.s32 $0x80, s0  }
0x38: {  	[tilespmem:s0+$0xFFFFFFC0] =	vst v0;
	p0 =	slt.u32 s1, $0x168  }
0x39: {  	[tilespmem:s0+$0x30] =	vst v0  }
.Ltmp3:
0x3a: {  	[tilespmem:s0+$0x20] =	vst v0;
	(pc) =	sbr.rel @p0 .LBB2_4-.Ltmp3, $4  }
0x3b: {  	[tilespmem:s0+$0x10] =	vst v0  }
0x3c: {  	[tilespmem:s0+$0x0] =	vst v0  }
0x3d: {  	[tilespmem:s0+$0xFFFFFFF0] =	vst v0  }
0x3e: {  	[tilespmem:s0+$0xFFFFFFE0] =	vst v0  }
0x3f: {  	[tilespmem:s0+$0xFFFFFFD0] =	vst v0  }
0x40: {  	[tilespmem:$0x14600] =	vst v0  }
0x41: {  	[tilespmem:$0x14610] =	vst v0  }
.Ltmp4:
0x42: {  	[tilespmem:$0x14620] =	vst v0;
	(pc) =	sbr.rel .LBB2_6-.Ltmp4, $4  }
0x43: {  	[tilespmem:$0x14630] =	vst v0  }
0x44: {  	[tilespmem:$0x14640] =	vst v0  }
0x45: {  	[tilespmem:$0x14650] =	vst v0  }
0x46: {  	s22 =	simm.s32 $0x0;
	[tilespmem:$0x14660] =	vst v0  }
.LBB2_15:
0x47: {  	s22 =	sadd.s32 $0x1, s22  }
0x48: {  	p0 =	sne.s32 s22, $0x30  }
.Ltmp5:
0x49: {  	_ = 	snop;
	(pc) =	sbr.rel @!p0 .LBB2_16-.Ltmp5, $1  }
0x4a: {  	_ =	sdelay $0x3  }
.LBB2_6:
0x4b: {  	s0 =	smul.u32 $0xC00, s22  }
0x4c: {  	s1 =	rddreg [dreg:$0x16]  }
0x4d: {  	s1 =	sadd.s32 s1, s0  }
0x4e: {  	s2 =	rddreg [dreg:$0x0];
	s1 =	sshrl.u32 s1, $0x3  }
0x4f: {  	s29 =	simm.s32 $0xC00;
	s3 =	simm.s32 $0x24000;
	s1 =	sadd.s32 s2, s1  }
0x50: {  	[tilespmem:s21], [sflag:$0x1] =	stream.strided.gather [hbm4b:s1+s29], $0xC000, s3, s29, $0x38;
	[tilespmem:$0x14680] =	vst v63  }
0x51: {  	_ =	swait.ge [sflag:s15], $0xC000  }
0x52: {  	[sflag:s15] =	ssyncset.done $0x0  }
0x53: {  	s0 =	sadd.s32 s8, s0;
	[sflag:s15] =	ssyncadd.s32 $0xFFFF4000  }
0x54: {  	s23 =	sshrl.u32 s0, $0x3;
	s30 =	rddreg [dreg:$0x1]  }
0x55: {  	s31 =	simm.s32 $0xC000;
	s0 =	sadd.s32 s30, s23  }
0x56: {  	[tilespmem:s31], [sflag:$0x1] =	stream.linear.gather [hbm4b:s0+s21], $0xC00, $0x38;
	[tilespmem:$0x14680] =	vst v63  }
0x57: {  	_ =	swait.ge [sflag:s15], $0xC00  }
0x58: {  	[sflag:s15] =	ssyncset.done $0x0  }
0x59: {  	s24 =	simm.s32 $0x0;
	[sflag:s15] =	ssyncadd.s32 $0xFFFFF400  }
.LBB2_7:
0x5a: {  	s25 =	sshll.u32 s24, $0x7  }
0x5b: {  	s0 =	sadd.s32 $0xC00, s25  }
0x5c: {  	s6 =	sadd.s32 $0x1800, s25;
	[dreg:$0x7] =	wrdreg s0  }
0x5d: {  	s7 =	sadd.s32 $0x2400, s25;
	[dreg:$0x8] =	wrdreg s6  }
0x5e: {  	s9 =	sadd.s32 $0x3000, s25;
	[dreg:$0x9] =	wrdreg s7  }
0x5f: {  	s10 =	sadd.s32 $0x3C00, s25;
	[dreg:$0xa] =	wrdreg s9  }
0x60: {  	s11 =	sadd.s32 $0x4800, s25;
	[dreg:$0xb] =	wrdreg s10  }
0x61: {  	s12 =	sadd.s32 $0x5400, s25;
	[dreg:$0xc] =	wrdreg s11  }
0x62: {  	s13 =	sadd.s32 $0x6000, s25;
	[dreg:$0xd] =	wrdreg s12  }
0x63: {  	s14 =	sadd.s32 $0x6C00, s25;
	[dreg:$0xe] =	wrdreg s13  }
0x64: {  	s17 =	sadd.s32 $0x7800, s25;
	[dreg:$0xf] =	wrdreg s14  }
0x65: {  	s18 =	sadd.s32 $0x8400, s25;
	[dreg:$0x10] =	wrdreg s17  }
0x66: {  	s20 =	sadd.s32 $0x9000, s25;
	[dreg:$0x11] =	wrdreg s18  }
0x67: {  	s26 =	sadd.s32 $0x9C00, s25;
	[dreg:$0x12] =	wrdreg s20  }
0x68: {  	s30 =	sadd.s32 $0xA800, s25;
	[dreg:$0x13] =	wrdreg s26  }
0x69: {  	s28 =	simm.s32 $0x0;
	s31 =	sadd.s32 $0xB400, s25;
	[dreg:$0x14] =	wrdreg s30  }
0x6a: {  	s29 =	simm.s32 $0x0;
	[dreg:$0x15] =	wrdreg s31;
	s26 =	simm.s32 $0xFFFFFFFC  }
.LBB2_8:
0x6b: {  	s13 =	sand.u32 $0xC00, s29  }
0x6c: {  	s31 =	sand.u32 $0x40, s28;
	s30 =	sor.u32 s25, s13  }
0x6d: {  	s0 =	sor.u32 s31, s30  }
0x6e: {  	v3 =	vld [tilespmem:s0+$0xC000];
	_ =	sdelay $0x2  }
0x6f: {  	v4 =	vld [tilespmem:s0+$0x0];
	_ =	sdelay $0x2  }
0x70: {  	s1 =	rddreg [dreg:$0x7]  }
0x71: {  	s4 =	sadd.s32 s13, s1  }
0x72: {  	s0 =	sadd.s32 s31, s4;
	[tilespmem:v3+s16+$0x0] =	vst.idx.add.f32.msk $0xffff, v4  }
0x73: {  	v5 =	vadd.s32 $0x4B0, v3;
	v4 =	vld [tilespmem:s0+$0x0];
	_ =	sdelay $0x2  }
0x74: {  	s2 =	rddreg [dreg:$0x8]  }
0x75: {  	s5 =	sadd.s32 s13, s2  }
0x76: {  	s0 =	sadd.s32 s31, s5;
	[tilespmem:v5+s16+$0x0] =	vst.idx.add.f32.msk $0xffff, v4  }
0x77: {  	v9 =	vadd.s32 $0x960, v3;
	v4 =	vld [tilespmem:s0+$0x0];
	_ =	sdelay $0x2  }
0x78: {  	s3 =	rddreg [dreg:$0x9]  }
0x79: {  	s9 =	sadd.s32 s13, s3  }
0x7a: {  	s0 =	sadd.s32 s31, s9;
	[tilespmem:v9+s16+$0x0] =	vst.idx.add.f32.msk $0xffff, v4  }
0x7b: {  	v10 =	vadd.s32 $0xE10, v3;
	v4 =	vld [tilespmem:s0+$0x0];
	_ =	sdelay $0x2  }
0x7c: {  	s6 =	rddreg [dreg:$0xa]  }
0x7d: {  	s10 =	sadd.s32 s13, s6  }
0x7e: {  	s0 =	sadd.s32 s31, s10;
	[tilespmem:v10+s16+$0x0] =	vst.idx.add.f32.msk $0xffff, v4  }
0x7f: {  	v11 =	vadd.s32 $0x12C0, v3;
	v4 =	vld [tilespmem:s0+$0x0];
	_ =	sdelay $0x2  }
0x80: {  	s7 =	rddreg [dreg:$0xb]  }
0x81: {  	s12 =	sadd.s32 s13, s7  }
0x82: {  	s0 =	sadd.s32 s31, s12;
	[tilespmem:v11+s16+$0x0] =	vst.idx.add.f32.msk $0xffff, v4  }
0x83: {  	v12 =	vadd.s32 $0x1770, v3;
	v4 =	vld [tilespmem:s0+$0x0];
	_ =	sdelay $0x2  }
0x84: {  	s11 =	rddreg [dreg:$0xc]  }
0x85: {  	s20 =	sadd.s32 s13, s11  }
0x86: {  	s0 =	sadd.s32 s31, s20;
	[tilespmem:v12+s16+$0x0] =	vst.idx.add.f32.msk $0xffff, v4  }
0x87: {  	v13 =	vadd.s32 $0x1C20, v3;
	v4 =	vld [tilespmem:s0+$0x0];
	_ =	sdelay $0x2  }
0x88: {  	s14 =	rddreg [dreg:$0xd]  }
0x89: {  	s2 =	sadd.s32 s13, s14  }
0x8a: {  	s0 =	sadd.s32 s31, s2;
	[tilespmem:v13+s16+$0x0] =	vst.idx.add.f32.msk $0xffff, v4  }
0x8b: {  	v14 =	vadd.s32 $0x20D0, v3;
	v4 =	vld [tilespmem:s0+$0x0];
	_ =	sdelay $0x2  }
0x8c: {  	s17 =	rddreg [dreg:$0xe]  }
0x8d: {  	s3 =	sadd.s32 s13, s17  }
0x8e: {  	s0 =	sadd.s32 s31, s3;
	[tilespmem:v14+s16+$0x0] =	vst.idx.add.f32.msk $0xffff, v4  }
0x8f: {  	v15 =	vadd.s32 $0x2580, v3;
	v4 =	vld [tilespmem:s0+$0x0];
	_ =	sdelay $0x2  }
0x90: {  	s18 =	rddreg [dreg:$0xf]  }
0x91: {  	s17 =	sadd.s32 s13, s18  }
0x92: {  	s0 =	sadd.s32 s31, s17;
	[tilespmem:v15+s16+$0x0] =	vst.idx.add.f32.msk $0xffff, v4  }
0x93: {  	v16 =	vadd.s32 $0x2A30, v3;
	v4 =	vld [tilespmem:s0+$0x0];
	_ =	sdelay $0x2  }
0x94: {  	s1 =	rddreg [dreg:$0x10]  }
0x95: {  	s18 =	sadd.s32 s13, s1  }
0x96: {  	s0 =	sadd.s32 s31, s18;
	[tilespmem:v16+s16+$0x0] =	vst.idx.add.f32.msk $0xffff, v4  }
0x97: {  	v17 =	vadd.s32 $0x2EE0, v3;
	v4 =	vld [tilespmem:s0+$0x0];
	_ =	sdelay $0x2  }
0x98: {  	s6 =	rddreg [dreg:$0x11]  }
0x99: {  	s0 =	sadd.s32 s13, s6  }
0x9a: {  	s1 =	sadd.s32 s31, s0;
	[tilespmem:v17+s16+$0x0] =	vst.idx.add.f32.msk $0xffff, v4  }
0x9b: {  	v18 =	vadd.s32 $0x3390, v3;
	v4 =	vld [tilespmem:s1+$0x0];
	_ =	sdelay $0x2  }
0x9c: {  	s7 =	rddreg [dreg:$0x12]  }
0x9d: {  	s1 =	sadd.s32 s13, s7  }
0x9e: {  	s6 =	sadd.s32 s31, s1;
	[tilespmem:v18+s16+$0x0] =	vst.idx.add.f32.msk $0xffff, v4  }
0x9f: {  	v19 =	vadd.s32 $0x3840, v3;
	v4 =	vld [tilespmem:s6+$0x0];
	_ =	sdelay $0x2  }
0xa0: {  	s11 =	rddreg [dreg:$0x13]  }
0xa1: {  	s6 =	sadd.s32 s13, s11  }
0xa2: {  	s11 =	sadd.s32 s31, s6;
	[tilespmem:v19+s16+$0x0] =	vst.idx.add.f32.msk $0xffff, v4  }
0xa3: {  	v20 =	vadd.s32 $0x3CF0, v3;
	v4 =	vld [tilespmem:s11+$0x0];
	_ =	sdelay $0x2  }
0xa4: {  	s14 =	rddreg [dreg:$0x14]  }
0xa5: {  	s11 =	sadd.s32 s13, s14  }
0xa6: {  	s14 =	sadd.s32 s31, s11;
	[tilespmem:v20+s16+$0x0] =	vst.idx.add.f32.msk $0xffff, v4  }
0xa7: {  	v21 =	vadd.s32 $0x41A0, v3;
	v4 =	vld [tilespmem:s14+$0x0];
	_ =	sdelay $0x2  }
0xa8: {  	s7 =	rddreg [dreg:$0x15]  }
0xa9: {  	s13 =	sadd.s32 s13, s7  }
0xaa: {  	s14 =	sadd.s32 s31, s13;
	[tilespmem:v21+s16+$0x0] =	vst.idx.add.f32.msk $0xffff, v4  }
0xab: {  	v3 =	vadd.s32 $0x4650, v3;
	v4 =	vld [tilespmem:s14+$0x0];
	_ =	sdelay $0x3  }
0xac: {  	s14 =	sor.u32 $0x10, s31  }
0xad: {  	s7 =	sor.u32 s14, s30;
	[tilespmem:v3+s16+$0x0] =	vst.idx.add.f32.msk $0xffff, v4  }
0xae: {  	v3 =	vld [tilespmem:s7+$0xC000];
	_ =	sdelay $0x2  }
0xaf: {  	v4 =	vld [tilespmem:s7+$0x0];
	_ =	sdelay $0x4  }
0xb0: {  	s7 =	sadd.s32 s14, s4;
	[tilespmem:v3+s16+$0x0] =	vst.idx.add.f32.msk $0xffff, v4  }
0xb1: {  	v22 =	vadd.s32 $0x4B0, v3;
	v4 =	vld [tilespmem:s7+$0x0];
	_ =	sdelay $0x4  }
0xb2: {  	s7 =	sadd.s32 s14, s5;
	[tilespmem:v22+s16+$0x0] =	vst.idx.add.f32.msk $0xffff, v4  }
0xb3: {  	v23 =	vadd.s32 $0x960, v3;
	v4 =	vld [tilespmem:s7+$0x0];
	_ =	sdelay $0x4  }
0xb4: {  	s7 =	sadd.s32 s14, s9;
	[tilespmem:v23+s16+$0x0] =	vst.idx.add.f32.msk $0xffff, v4  }
0xb5: {  	v24 =	vadd.s32 $0xE10, v3;
	v4 =	vld [tilespmem:s7+$0x0];
	_ =	sdelay $0x4  }
0xb6: {  	s7 =	sadd.s32 s14, s10;
	[tilespmem:v24+s16+$0x0] =	vst.idx.add.f32.msk $0xffff, v4  }
0xb7: {  	v25 =	vadd.s32 $0x12C0, v3;
	v4 =	vld [tilespmem:s7+$0x0];
	_ =	sdelay $0x4  }
0xb8: {  	s7 =	sadd.s32 s14, s12;
	[tilespmem:v25+s16+$0x0] =	vst.idx.add.f32.msk $0xffff, v4  }
0xb9: {  	v26 =	vadd.s32 $0x1770, v3;
	v4 =	vld [tilespmem:s7+$0x0];
	_ =	sdelay $0x4  }
0xba: {  	s7 =	sadd.s32 s14, s20;
	[tilespmem:v26+s16+$0x0] =	vst.idx.add.f32.msk $0xffff, v4  }
0xbb: {  	v27 =	vadd.s32 $0x1C20, v3;
	v4 =	vld [tilespmem:s7+$0x0];
	_ =	sdelay $0x4  }
0xbc: {  	s7 =	sadd.s32 s14, s2;
	[tilespmem:v27+s16+$0x0] =	vst.idx.add.f32.msk $0xffff, v4  }
0xbd: {  	v28 =	vadd.s32 $0x20D0, v3;
	v4 =	vld [tilespmem:s7+$0x0];
	_ =	sdelay $0x4  }
0xbe: {  	s7 =	sadd.s32 s14, s3;
	[tilespmem:v28+s16+$0x0] =	vst.idx.add.f32.msk $0xffff, v4  }
0xbf: {  	v29 =	vadd.s32 $0x2580, v3;
	v4 =	vld [tilespmem:s7+$0x0];
	_ =	sdelay $0x4  }
0xc0: {  	s7 =	sadd.s32 s14, s17;
	[tilespmem:v29+s16+$0x0] =	vst.idx.add.f32.msk $0xffff, v4  }
0xc1: {  	v30 =	vadd.s32 $0x2A30, v3;
	v4 =	vld [tilespmem:s7+$0x0];
	_ =	sdelay $0x4  }
0xc2: {  	s7 =	sadd.s32 s14, s18;
	[tilespmem:v30+s16+$0x0] =	vst.idx.add.f32.msk $0xffff, v4  }
0xc3: {  	v31 =	vadd.s32 $0x2EE0, v3;
	v4 =	vld [tilespmem:s7+$0x0];
	_ =	sdelay $0x4  }
0xc4: {  	s7 =	sadd.s32 s14, s0;
	[tilespmem:v31+s16+$0x0] =	vst.idx.add.f32.msk $0xffff, v4  }
0xc5: {  	v32 =	vadd.s32 $0x3390, v3;
	v4 =	vld [tilespmem:s7+$0x0];
	_ =	sdelay $0x4  }
0xc6: {  	s7 =	sadd.s32 s14, s1;
	[tilespmem:v32+s16+$0x0] =	vst.idx.add.f32.msk $0xffff, v4  }
0xc7: {  	v33 =	vadd.s32 $0x3840, v3;
	v4 =	vld [tilespmem:s7+$0x0];
	_ =	sdelay $0x4  }
0xc8: {  	s7 =	sadd.s32 s14, s6;
	[tilespmem:v33+s16+$0x0] =	vst.idx.add.f32.msk $0xffff, v4  }
0xc9: {  	v34 =	vadd.s32 $0x3CF0, v3;
	v4 =	vld [tilespmem:s7+$0x0];
	_ =	sdelay $0x4  }
0xca: {  	s7 =	sadd.s32 s14, s11;
	[tilespmem:v34+s16+$0x0] =	vst.idx.add.f32.msk $0xffff, v4  }
0xcb: {  	v35 =	vadd.s32 $0x41A0, v3;
	v4 =	vld [tilespmem:s7+$0x0];
	_ =	sdelay $0x4  }
0xcc: {  	s14 =	sadd.s32 s14, s13;
	[tilespmem:v35+s16+$0x0] =	vst.idx.add.f32.msk $0xffff, v4  }
0xcd: {  	v3 =	vadd.s32 $0x4650, v3;
	v4 =	vld [tilespmem:s14+$0x0];
	_ =	sdelay $0x3  }
0xce: {  	s7 =	sor.u32 $0x20, s31  }
0xcf: {  	s14 =	sor.u32 s7, s30;
	[tilespmem:v3+s16+$0x0] =	vst.idx.add.f32.msk $0xffff, v4  }
0xd0: {  	v3 =	vld [tilespmem:s14+$0xC000];
	_ =	sdelay $0x2  }
0xd1: {  	v4 =	vld [tilespmem:s14+$0x0];
	_ =	sdelay $0x4  }
0xd2: {  	s14 =	sadd.s32 s7, s4;
	[tilespmem:v3+s16+$0x0] =	vst.idx.add.f32.msk $0xffff, v4  }
0xd3: {  	v36 =	vadd.s32 $0x4B0, v3;
	v4 =	vld [tilespmem:s14+$0x0];
	_ =	sdelay $0x4  }
0xd4: {  	s14 =	sadd.s32 s7, s5;
	[tilespmem:v36+s16+$0x0] =	vst.idx.add.f32.msk $0xffff, v4  }
0xd5: {  	v37 =	vadd.s32 $0x960, v3;
	v4 =	vld [tilespmem:s14+$0x0];
	_ =	sdelay $0x4  }
0xd6: {  	s14 =	sadd.s32 s7, s9;
	[tilespmem:v37+s16+$0x0] =	vst.idx.add.f32.msk $0xffff, v4  }
0xd7: {  	v38 =	vadd.s32 $0xE10, v3;
	v4 =	vld [tilespmem:s14+$0x0];
	_ =	sdelay $0x4  }
0xd8: {  	s14 =	sadd.s32 s7, s10;
	[tilespmem:v38+s16+$0x0] =	vst.idx.add.f32.msk $0xffff, v4  }
0xd9: {  	v39 =	vadd.s32 $0x12C0, v3;
	v4 =	vld [tilespmem:s14+$0x0];
	_ =	sdelay $0x4  }
0xda: {  	s14 =	sadd.s32 s7, s12;
	[tilespmem:v39+s16+$0x0] =	vst.idx.add.f32.msk $0xffff, v4  }
0xdb: {  	v40 =	vadd.s32 $0x1770, v3;
	v4 =	vld [tilespmem:s14+$0x0];
	_ =	sdelay $0x4  }
0xdc: {  	s14 =	sadd.s32 s7, s20;
	[tilespmem:v40+s16+$0x0] =	vst.idx.add.f32.msk $0xffff, v4  }
0xdd: {  	v41 =	vadd.s32 $0x1C20, v3;
	v4 =	vld [tilespmem:s14+$0x0];
	_ =	sdelay $0x4  }
0xde: {  	s14 =	sadd.s32 s7, s2;
	[tilespmem:v41+s16+$0x0] =	vst.idx.add.f32.msk $0xffff, v4  }
0xdf: {  	v42 =	vadd.s32 $0x20D0, v3;
	v4 =	vld [tilespmem:s14+$0x0];
	_ =	sdelay $0x4  }
0xe0: {  	s14 =	sadd.s32 s7, s3;
	[tilespmem:v42+s16+$0x0] =	vst.idx.add.f32.msk $0xffff, v4  }
0xe1: {  	v43 =	vadd.s32 $0x2580, v3;
	v4 =	vld [tilespmem:s14+$0x0];
	_ =	sdelay $0x4  }
0xe2: {  	s14 =	sadd.s32 s7, s17;
	[tilespmem:v43+s16+$0x0] =	vst.idx.add.f32.msk $0xffff, v4  }
0xe3: {  	v44 =	vadd.s32 $0x2A30, v3;
	v4 =	vld [tilespmem:s14+$0x0];
	_ =	sdelay $0x4  }
0xe4: {  	s14 =	sadd.s32 s7, s18;
	[tilespmem:v44+s16+$0x0] =	vst.idx.add.f32.msk $0xffff, v4  }
0xe5: {  	v45 =	vadd.s32 $0x2EE0, v3;
	v4 =	vld [tilespmem:s14+$0x0];
	_ =	sdelay $0x4  }
0xe6: {  	s14 =	sadd.s32 s7, s0;
	[tilespmem:v45+s16+$0x0] =	vst.idx.add.f32.msk $0xffff, v4  }
0xe7: {  	v46 =	vadd.s32 $0x3390, v3;
	v4 =	vld [tilespmem:s14+$0x0];
	_ =	sdelay $0x4  }
0xe8: {  	s14 =	sadd.s32 s7, s1;
	[tilespmem:v46+s16+$0x0] =	vst.idx.add.f32.msk $0xffff, v4  }
0xe9: {  	v47 =	vadd.s32 $0x3840, v3;
	v4 =	vld [tilespmem:s14+$0x0];
	_ =	sdelay $0x4  }
0xea: {  	s14 =	sadd.s32 s7, s6;
	[tilespmem:v47+s16+$0x0] =	vst.idx.add.f32.msk $0xffff, v4  }
0xeb: {  	v48 =	vadd.s32 $0x3CF0, v3;
	v4 =	vld [tilespmem:s14+$0x0];
	_ =	sdelay $0x4  }
0xec: {  	s14 =	sadd.s32 s7, s11;
	[tilespmem:v48+s16+$0x0] =	vst.idx.add.f32.msk $0xffff, v4  }
0xed: {  	v49 =	vadd.s32 $0x41A0, v3;
	v4 =	vld [tilespmem:s14+$0x0];
	_ =	sdelay $0x4  }
0xee: {  	s7 =	sadd.s32 s7, s13;
	[tilespmem:v49+s16+$0x0] =	vst.idx.add.f32.msk $0xffff, v4  }
0xef: {  	v3 =	vadd.s32 $0x4650, v3;
	v4 =	vld [tilespmem:s7+$0x0];
	_ =	sdelay $0x3  }
0xf0: {  	s7 =	sor.u32 $0x30, s31  }
0xf1: {  	s31 =	sor.u32 s7, s30;
	[tilespmem:v3+s16+$0x0] =	vst.idx.add.f32.msk $0xffff, v4  }
0xf2: {  	v3 =	vld [tilespmem:s31+$0xC000];
	_ =	sdelay $0x2  }
0xf3: {  	v4 =	vld [tilespmem:s31+$0x0];
	_ =	sdelay $0x4  }
0xf4: {  	s4 =	sadd.s32 s7, s4;
	[tilespmem:v3+s16+$0x0] =	vst.idx.add.f32.msk $0xffff, v4  }
0xf5: {  	v50 =	vadd.s32 $0x4B0, v3;
	v4 =	vld [tilespmem:s4+$0x0];
	_ =	sdelay $0x4  }
0xf6: {  	s30 =	sadd.s32 s7, s5;
	[tilespmem:v50+s16+$0x0] =	vst.idx.add.f32.msk $0xffff, v4  }
0xf7: {  	v51 =	vadd.s32 $0x960, v3;
	v4 =	vld [tilespmem:s30+$0x0];
	_ =	sdelay $0x4  }
0xf8: {  	s31 =	sadd.s32 s7, s9;
	[tilespmem:v51+s16+$0x0] =	vst.idx.add.f32.msk $0xffff, v4  }
0xf9: {  	v52 =	vadd.s32 $0xE10, v3;
	v4 =	vld [tilespmem:s31+$0x0];
	_ =	sdelay $0x4  }
0xfa: {  	s5 =	sadd.s32 s7, s10;
	[tilespmem:v52+s16+$0x0] =	vst.idx.add.f32.msk $0xffff, v4  }
0xfb: {  	v53 =	vadd.s32 $0x12C0, v3;
	v4 =	vld [tilespmem:s5+$0x0];
	_ =	sdelay $0x4  }
0xfc: {  	s9 =	sadd.s32 s7, s12;
	[tilespmem:v53+s16+$0x0] =	vst.idx.add.f32.msk $0xffff, v4  }
0xfd: {  	v54 =	vadd.s32 $0x1770, v3;
	v4 =	vld [tilespmem:s9+$0x0];
	_ =	sdelay $0x4  }
0xfe: {  	s10 =	sadd.s32 s7, s20;
	[tilespmem:v54+s16+$0x0] =	vst.idx.add.f32.msk $0xffff, v4  }
0xff: {  	v55 =	vadd.s32 $0x1C20, v3;
	v4 =	vld [tilespmem:s10+$0x0];
	_ =	sdelay $0x4  }
0x100: {  	s2 =	sadd.s32 s7, s2;
	[tilespmem:v55+s16+$0x0] =	vst.idx.add.f32.msk $0xffff, v4  }
0x101: {  	v56 =	vadd.s32 $0x20D0, v3;
	v4 =	vld [tilespmem:s2+$0x0];
	_ =	sdelay $0x4  }
0x102: {  	s12 =	sadd.s32 s7, s3;
	[tilespmem:v56+s16+$0x0] =	vst.idx.add.f32.msk $0xffff, v4  }
0x103: {  	v57 =	vadd.s32 $0x2580, v3;
	v4 =	vld [tilespmem:s12+$0x0];
	_ =	sdelay $0x4  }
0x104: {  	s14 =	sadd.s32 s7, s17;
	[tilespmem:v57+s16+$0x0] =	vst.idx.add.f32.msk $0xffff, v4  }
0x105: {  	v58 =	vadd.s32 $0x2A30, v3;
	v4 =	vld [tilespmem:s14+$0x0];
	_ =	sdelay $0x4  }
0x106: {  	s17 =	sadd.s32 s7, s18;
	[tilespmem:v58+s16+$0x0] =	vst.idx.add.f32.msk $0xffff, v4  }
0x107: {  	v59 =	vadd.s32 $0x2EE0, v3;
	v4 =	vld [tilespmem:s17+$0x0];
	_ =	sdelay $0x4  }
0x108: {  	s0 =	sadd.s32 s7, s0;
	[tilespmem:v59+s16+$0x0] =	vst.idx.add.f32.msk $0xffff, v4  }
0x109: {  	v60 =	vadd.s32 $0x3390, v3;
	v4 =	vld [tilespmem:s0+$0x0];
	_ =	sdelay $0x4  }
0x10a: {  	s18 =	sadd.s32 s7, s1;
	[tilespmem:v60+s16+$0x0] =	vst.idx.add.f32.msk $0xffff, v4  }
0x10b: {  	v61 =	vadd.s32 $0x3840, v3;
	v4 =	vld [tilespmem:s18+$0x0];
	_ =	sdelay $0x4  }
0x10c: {  	s20 =	sadd.s32 s7, s6;
	[tilespmem:v61+s16+$0x0] =	vst.idx.add.f32.msk $0xffff, v4  }
0x10d: {  	v62 =	vadd.s32 $0x3CF0, v3;
	v4 =	vld [tilespmem:s20+$0x0];
	_ =	sdelay $0x4  }
0x10e: {  	s30 =	sadd.s32 s7, s11;
	[tilespmem:v62+s16+$0x0] =	vst.idx.add.f32.msk $0xffff, v4  }
0x10f: {  	v63 =	vadd.s32 $0x41A0, v3;
	v4 =	vld [tilespmem:s30+$0x0];
	_ =	sdelay $0x4  }
0x110: {  	s26 =	sadd.s32 $0x4, s26;
	s31 =	sadd.s32 s7, s13;
	[tilespmem:v63+s16+$0x0] =	vst.idx.add.f32.msk $0xffff, v4  }
0x111: {  	p0 =	slt.u32 s26, $0x14;
	v3 =	vadd.s32 $0x4650, v3;
	v4 =	vld [tilespmem:s31+$0x0]  }
.Ltmp6:
0x112: {  	_ = 	snop;
	(pc) =	sbr.rel @p0 .LBB2_8-.Ltmp6, $2  }
0x113: {  	_ =	sdelay $0x2  }
0x114: {  	s29 =	sadd.s32 $0x200, s29;
	s28 =	sadd.s32 $0x40, s28;
	[tilespmem:v3+s16+$0x0] =	vst.idx.add.f32.msk $0xffff, v4  }
0x115: {  	s24 =	sadd.s32 $0x1, s24  }
0x116: {  	p0 =	sne.s32 s24, $0x8  }
.Ltmp7:
0x117: {  	_ = 	snop;
	(pc) =	sbr.rel @p0 .LBB2_7-.Ltmp7, $1  }
0x118: {  	_ =	sdelay $0x3  }
0x119: {  	s0 =	sand.u32 $0xF, s22;
	s1 =	stileid.u32  }
0x11a: {  	p0 =	sne.s32 s0, s1  }
.Ltmp8:
0x11b: {  	_ = 	snop;
	(pc) =	sbr.rel @p0 .LBB2_15-.Ltmp8, $1  }
0x11c: {  	_ =	sdelay $0x3  }
0x11d: {  	s0 =	rddreg [dreg:$0x2]  }
0x11e: {  	s2 =	simm.s32 $0xCC00;
	s1 =	sadd.s32 s0, s23;
	s0 =	simm.s32 $0x0  }
0x11f: {  	[tilespmem:s2], [sflag:$0x1] =	stream.linear.gather [hbm4b:s1+s0], $0xC00, $0x38;
	[tilespmem:$0x14680] =	vst v63  }
0x120: {  	_ =	swait.ge [sflag:s15], $0xC00  }
0x121: {  	[sflag:s15] =	ssyncset.done $0x0  }
0x122: {  	[sflag:s15] =	ssyncadd.s32 $0xFFFFF400  }
0x123: {  	s30 =	rddreg [dreg:$0x3]  }
0x124: {  	s31 =	simm.s32 $0xD800;
	s1 =	sadd.s32 s30, s23  }
0x125: {  	[tilespmem:s31], [sflag:$0x1] =	stream.linear.gather [hbm4b:s1+s0], $0xC00, $0x38;
	[tilespmem:$0x14680] =	vst v63  }
0x126: {  	_ =	swait.ge [sflag:s15], $0xC00  }
0x127: {  	[sflag:s15] =	ssyncset.done $0x0  }
0x128: {  	s2 =	simm.s32 $0x0;
	s1 =	sshll.u32 s22, $0x3;
	[sflag:s15] =	ssyncadd.s32 $0xFFFFF400  }
.LBB2_12:
0x129: {  	s4 =	simm.s32 $0x0  }
0x12a: {  	s3 =	sshll.u32 s2, $0x7;
	s5 =	sand.u32 $0x60, s4  }
0x12b: {  	s6 =	sand.u32 $0xC00, s0;
	s5 =	sor.u32 s5, s3  }
0x12c: {  	s5 =	sor.u32 s6, s5  }
0x12d: {  	v4 =	vld [tilespmem:s5+$0xC000];
	_ =	sdelay $0x1  }
0x12e: {  	s7 =	sadd.s32 s1, s2  }
0x12f: {  	s7 =	scvt.s32.f32 s7  }
0x130: {  	s4 =	scvt.s32.f32 s4  }
0x131: {  	s7 =	smul.f32 $2.610966100e-03, s7;
	v5 =	vadd.s32 $0x4B0, v4  }
0x132: {  	s4 =	smul.f32 $2.610966100e-03, s4;
	_ =	sdelay $0x1  }
0x133: {  	v3 =	vmov s7;
	v6 =	vadd.f32 s4, v1  }
0x134: {  	[tilespmem:v4+s19+$0x0] =	vst.idx.add.f32.msk $0xffff, v3  }
0x135: {  	[tilespmem:v5+s19+$0x0] =	vst.idx.add.f32.msk $0xffff, v6  }
0x136: {  	v5 =	vadd.s32 $0x960, v4;
	v6 =	vld [tilespmem:s5+$0xCC00];
	_ =	sdelay $0x4  }
0x137: {  	[tilespmem:v5+s19+$0x0] =	vst.idx.add.f32.msk $0xffff, v6  }
0x138: {  	v5 =	vadd.s32 $0xE10, v4;
	v6 =	vld [tilespmem:s5+$0xD800]  }
0x139: {  	v4 =	vadd.s32 $0x12C0, v4;
	_ =	sdelay $0x1  }
0x13a: {  	s29 =	simm.s32 $0x10  }
0x13b: {  	s30 =	sand.u32 $0x70, s29  }
0x13c: {  	s5 =	sor.u32 s30, s3;
	[tilespmem:v5+s19+$0x0] =	vst.idx.add.f32.msk $0xffff, v6  }
0x13d: {  	s5 =	sor.u32 s6, s5;
	[tilespmem:v4+s19+$0x0] =	vst.idx.add.f32.msk $0xffff, v2  }
0x13e: {  	v4 =	vld [tilespmem:s5+$0xC000];
	_ =	sdelay $0x3  }
0x13f: {  	s4 =	scvt.s32.f32 s29  }
0x140: {  	v5 =	vadd.s32 $0x4B0, v4  }
0x141: {  	s4 =	smul.f32 $2.610966100e-03, s4;
	_ =	sdelay $0x1  }
0x142: {  	v6 =	vadd.f32 s4, v1  }
0x143: {  	[tilespmem:v4+s19+$0x0] =	vst.idx.add.f32.msk $0xffff, v3  }
0x144: {  	[tilespmem:v5+s19+$0x0] =	vst.idx.add.f32.msk $0xffff, v6  }
0x145: {  	v5 =	vadd.s32 $0x960, v4;
	v6 =	vld [tilespmem:s5+$0xCC00];
	_ =	sdelay $0x4  }
0x146: {  	[tilespmem:v5+s19+$0x0] =	vst.idx.add.f32.msk $0xffff, v6  }
0x147: {  	v5 =	vadd.s32 $0xE10, v4;
	v6 =	vld [tilespmem:s5+$0xD800]  }
0x148: {  	v4 =	vadd.s32 $0x12C0, v4  }
0x149: {  	s31 =	simm.s32 $0x20  }
0x14a: {  	s11 =	sand.u32 $0x60, s31  }
0x14b: {  	s10 =	scvt.s32.f32 s31;
	s11 =	sor.u32 s11, s3;
	s6 =	simm.s32 $0x100  }
0x14c: {  	s9 =	sand.u32 $0xC00, s6;
	s4 =	simm.s32 $0x30;
	s5 =	simm.s32 $0x2;
	[tilespmem:v5+s19+$0x0] =	vst.idx.add.f32.msk $0xffff, v6  }
.LBB2_13:
0x14d: {  	s5 =	sadd.s32 $0x2, s5;
	s7 =	sor.u32 s9, s11;
	[tilespmem:v4+s19+$0x0] =	vst.idx.add.f32.msk $0xffff, v2  }
0x14e: {  	p0 =	slt.u32 s5, $0x16;
	v4 =	vld [tilespmem:s7+$0xC000];
	_ =	sdelay $0x4  }
0x14f: {  	v5 =	vadd.s32 $0x4B0, v4  }
0x150: {  	s10 =	smul.f32 $2.610966100e-03, s10;
	_ =	sdelay $0x1  }
0x151: {  	v6 =	vadd.f32 s10, v1  }
0x152: {  	[tilespmem:v4+s19+$0x0] =	vst.idx.add.f32.msk $0xffff, v3  }
0x153: {  	[tilespmem:v5+s19+$0x0] =	vst.idx.add.f32.msk $0xffff, v6  }
0x154: {  	v5 =	vadd.s32 $0x960, v4;
	v6 =	vld [tilespmem:s7+$0xCC00];
	_ =	sdelay $0x4  }
0x155: {  	[tilespmem:v5+s19+$0x0] =	vst.idx.add.f32.msk $0xffff, v6  }
0x156: {  	v5 =	vadd.s32 $0xE10, v4;
	v6 =	vld [tilespmem:s7+$0xD800]  }
0x157: {  	v4 =	vadd.s32 $0x12C0, v4;
	_ =	sdelay $0x2  }
0x158: {  	s7 =	sand.u32 $0x70, s4  }
0x159: {  	s7 =	sor.u32 s7, s3;
	[tilespmem:v5+s19+$0x0] =	vst.idx.add.f32.msk $0xffff, v6  }
0x15a: {  	s7 =	sor.u32 s9, s7;
	[tilespmem:v4+s19+$0x0] =	vst.idx.add.f32.msk $0xffff, v2  }
0x15b: {  	v4 =	vld [tilespmem:s7+$0xC000];
	_ =	sdelay $0x3  }
0x15c: {  	s9 =	scvt.s32.f32 s4  }
0x15d: {  	v5 =	vadd.s32 $0x4B0, v4  }
0x15e: {  	s9 =	smul.f32 $2.610966100e-03, s9;
	_ =	sdelay $0x1  }
0x15f: {  	v6 =	vadd.f32 s9, v1;
	[tilespmem:v4+s19+$0x0] =	vst.idx.add.f32.msk $0xffff, v3;
	_ =	sdelay $0x1  }
0x160: {  	[tilespmem:v5+s19+$0x0] =	vst.idx.add.f32.msk $0xffff, v6  }
0x161: {  	v5 =	vadd.s32 $0x960, v4;
	v6 =	vld [tilespmem:s7+$0xCC00];
	_ =	sdelay $0x4  }
0x162: {  	[tilespmem:v5+s19+$0x0] =	vst.idx.add.f32.msk $0xffff, v6  }
0x163: {  	v5 =	vadd.s32 $0xE10, v4;
	v6 =	vld [tilespmem:s7+$0xD800]  }
.Ltmp9:
0x164: {  	v4 =	vadd.s32 $0x12C0, v4;
	(pc) =	sbr.rel @p0 .LBB2_13-.Ltmp9, $4  }
0x165: {  	s4 =	sadd.s32 $0x20, s4  }
0x166: {  	s7 =	sadd.s32 $0xFFFFFFF0, s4  }
0x167: {  	s6 =	sadd.s32 $0x100, s6;
	s11 =	sand.u32 $0x60, s7;
	s10 =	scvt.s32.f32 s7  }
0x168: {  	s9 =	sand.u32 $0xC00, s6;
	s11 =	sor.u32 s11, s3;
	[tilespmem:v5+s19+$0x0] =	vst.idx.add.f32.msk $0xffff, v6  }
0x169: {  	_ =	sdelay $0x3  }
0x16a: {  	s5 =	sor.u32 s9, s11;
	[tilespmem:v4+s19+$0x0] =	vst.idx.add.f32.msk $0xffff, v2  }
0x16b: {  	v4 =	vld [tilespmem:s5+$0xC000];
	_ =	sdelay $0x4  }
0x16c: {  	v5 =	vadd.s32 $0x4B0, v4  }
0x16d: {  	s6 =	smul.f32 $2.610966100e-03, s10;
	_ =	sdelay $0x1  }
0x16e: {  	v6 =	vadd.f32 s6, v1  }
0x16f: {  	[tilespmem:v4+s19+$0x0] =	vst.idx.add.f32.msk $0xffff, v3  }
0x170: {  	[tilespmem:v5+s19+$0x0] =	vst.idx.add.f32.msk $0xffff, v6  }
0x171: {  	v60 =	vadd.s32 $0x960, v4;
	v6 =	vld [tilespmem:s5+$0xCC00];
	_ =	sdelay $0x4  }
0x172: {  	[tilespmem:v60+s19+$0x0] =	vst.idx.add.f32.msk $0xffff, v6  }
0x173: {  	v61 =	vadd.s32 $0xE10, v4;
	v6 =	vld [tilespmem:s5+$0xD800]  }
0x174: {  	v4 =	vadd.s32 $0x12C0, v4;
	_ =	sdelay $0x2  }
0x175: {  	s30 =	sand.u32 $0x70, s4  }
0x176: {  	s3 =	sor.u32 s30, s3;
	[tilespmem:v61+s19+$0x0] =	vst.idx.add.f32.msk $0xffff, v6  }
0x177: {  	s3 =	sor.u32 s9, s3;
	[tilespmem:v4+s19+$0x0] =	vst.idx.add.f32.msk $0xffff, v2  }
0x178: {  	v4 =	vld [tilespmem:s3+$0xC000];
	_ =	sdelay $0x3  }
0x179: {  	s31 =	scvt.s32.f32 s4  }
0x17a: {  	v62 =	vadd.s32 $0x4B0, v4  }
0x17b: {  	s4 =	smul.f32 $2.610966100e-03, s31;
	_ =	sdelay $0x1  }
0x17c: {  	v63 =	vadd.f32 s4, v1  }
0x17d: {  	[tilespmem:v4+s19+$0x0] =	vst.idx.add.f32.msk $0xffff, v3  }
0x17e: {  	[tilespmem:v62+s19+$0x0] =	vst.idx.add.f32.msk $0xffff, v63  }
0x17f: {  	v3 =	vadd.s32 $0x960, v4;
	v5 =	vld [tilespmem:s3+$0xCC00];
	_ =	sdelay $0x4  }
0x180: {  	[tilespmem:v3+s19+$0x0] =	vst.idx.add.f32.msk $0xffff, v5  }
0x181: {  	s2 =	sadd.s32 $0x1, s2;
	v3 =	vadd.s32 $0xE10, v4;
	v5 =	vld [tilespmem:s3+$0xD800]  }
0x182: {  	p0 =	sne.s32 s2, $0x8;
	v4 =	vadd.s32 $0x12C0, v4  }
.Ltmp10:
0x183: {  	_ = 	snop;
	(pc) =	sbr.rel @p0 .LBB2_12-.Ltmp10, $4  }
.Ltmp11:
0x184: {  	_ = 	snop;
	(pc) =	sbr.rel @!p0 .LBB2_15-.Ltmp11, $4  }
0x185: {  	_ = 	snop  }
0x186: {  	[tilespmem:v3+s19+$0x0] =	vst.idx.add.f32.msk $0xffff, v5  }
0x187: {  	[tilespmem:v4+s19+$0x0] =	vst.idx.add.f32.msk $0xffff, v2  }
0x188: {  	_ = 	snop  }
.LBB2_17:
0x189: {  	_ =	sfence.sel $0x180000  }
0x18a: {  	[bflag:$0x0] =	sbarrier.arrive $0xFFFF  }
0x18b: {  	_ =	strace $0x90000047  }
0x18c: {  	s0 =	stileid.u32;
	[bflag:$0x2] =	sbarrier.arrive $0xFFFF  }
0x18d: {  	p0 =	sne.s32 s0, $0x0;
	s0 =	rddreg [dreg:$0x6]  }
0x18e: {  	s0 =	sadd.s32 @!p0 $0x100000, s0  }
0x18f: {  	[sflag:s0] =	ssyncadd.tile.s32 @!p0 $0x1;
	_ =	shalt  }
.Lfunc_end2:
_tile_overlayer_lowered:
.L_overlay_start_2:
0x190: {  	(tag) =	ssettag $0x2  }
0x191: {  	s0 =	rddreg [dreg:$0x0];
	s2 =	stileid.u32  }
0x192: {  	s1 =	rddreg [dreg:$0x1];
	p0 =	sne.s32 s2, $0x0  }
0x193: {  	s3 =	rddreg [dreg:$0x2];
	[bflag:$0x3] =	sbarrier.arrive $0xFFFF;
	s2 =	simm.s32 @!p0 $0x1C01  }
0x194: {  	[timem:s3], [sflag:s2] =	dma.local @!p0 [hbm:s0], s1  }
0x195: {  	s0 =	simm.s32 @!p0 $0x1  }
0x196: {  	_ =	swait.ge @!p0 [sflag:s0], s1  }
0x197: {  	s1 =	ssub.s32 @!p0 $0x0, s1;
	[sflag:s0] =	ssyncset.done @!p0 $0x0  }
0x198: {  	[sflag:s0] =	ssyncadd.s32 @!p0 s1  }
0x199: {  	[bflag:$0x3] =	sbarrier.arrive $0xFFFF  }
0x19a: {  	_ =	shalt  }

</sc_bundles>
